<compile_context>
chip_gen: v7x
topology: tpu7x:2x2x1
jax: 0.10.2.dev20260603
libtpu: 0.0.44.dev20260713+nightly
codegen_flags: <defaults>
</compile_context>

<pallas_src>
import functools

import jax
import jax.numpy as jnp
from jax import lax
from jax.experimental import pallas as pl
from jax.experimental.pallas import tpu as pltpu
from jax.experimental.pallas import tpu_sc as plsc

OUT_DIM = 16


def _mlp_table_body(embed_ref, W1_ref, b1_ref, alpha_ref, W2_ref, b2_ref,
                    out_ref):
    e = embed_ref[...]
    h = lax.dot(e, W1_ref[...], preferred_element_type=jnp.float32)
    h = h + b1_ref[...]
    a = alpha_ref[0, 0]
    h = jnp.maximum(h, 0.0) + a * jnp.minimum(h, 0.0)
    out_ref[...] = (lax.dot(h, W2_ref[...], preferred_element_type=jnp.float32)
                    + b2_ref[...])


def _mlp_table(embed, W1, b1, alpha, W2, b2):
    vocab = embed.shape[0]
    return pl.pallas_call(
        _mlp_table_body,
        out_shape=jax.ShapeDtypeStruct((vocab, OUT_DIM), jnp.float32),
        in_specs=[
            pl.BlockSpec(memory_space=pltpu.VMEM),
            pl.BlockSpec(memory_space=pltpu.VMEM),
            pl.BlockSpec(memory_space=pltpu.VMEM),
            pl.BlockSpec(memory_space=pltpu.SMEM),
            pl.BlockSpec(memory_space=pltpu.VMEM),
            pl.BlockSpec(memory_space=pltpu.VMEM),
        ],
        out_specs=pl.BlockSpec(memory_space=pltpu.VMEM),
    )(embed, W1, b1.reshape(1, -1), alpha.reshape(1, 1), W2,
      b2.reshape(1, -1))


def _sc_gather(table_flat, idx2d, nc, ns, nchunks, C):
    nw, per_w = idx2d.shape
    tlen = table_flat.shape[0]
    B = nw * per_w
    mesh = plsc.VectorSubcoreMesh(core_axis_name="c", subcore_axis_name="s")
    groups = C // 16

    @functools.partial(
        pl.kernel,
        out_type=jax.ShapeDtypeStruct((B, OUT_DIM), jnp.float32),
        mesh=mesh,
        scratch_types=[
            pltpu.VMEM((tlen,), jnp.float32),
            pltpu.VMEM((per_w,), jnp.int32),
            pltpu.VMEM((C, OUT_DIM), jnp.float32),
            pltpu.VMEM((C, OUT_DIM), jnp.float32),
            pltpu.SemaphoreType.DMA,
            pltpu.SemaphoreType.DMA,
        ],
        compiler_params=pltpu.CompilerParams(use_tc_tiling_on_sc=True,
                                             needs_layout_passes=False),
    )
    def gather_kernel(table_hbm, idx_hbm, out_hbm, table_v, idx_v,
                      rows0, rows1, osem0, osem1):
        wid = lax.axis_index("s") * nc + lax.axis_index("c")
        row0 = wid * per_w
        pltpu.sync_copy(table_hbm, table_v)
        pltpu.sync_copy(idx_hbm.at[wid], idx_v)
        iota16 = lax.iota(jnp.int32, 16)
        lane_sel = [jnp.full((16, 1), k, jnp.int32) for k in range(16)]
        dnums = lax.GatherDimensionNumbers(offset_dims=(),
                                           collapsed_slice_dims=(0,),
                                           start_index_map=(0,))

        def bcast_lane(vec, k):
            return lax.gather(vec, lane_sel[k], dnums, slice_sizes=(1,),
                              mode=lax.GatherScatterMode.PROMISE_IN_BOUNDS)

        def do_chunk(j, m, rows_buf, osem):
            @pl.when(m >= 1)
            def _wait_prev():
                pltpu.make_async_copy(rows_buf, out_hbm.at[pl.ds(0, C)],
                                      osem).wait()

            def group(g, carry):
                v = idx_v[pl.ds(j * C + g * 16, 16)]
                a = v * OUT_DIM
                for k in range(16):
                    addr = bcast_lane(a, k) + iota16
                    row = plsc.load_gather(table_v, [addr])
                    plsc.store_scatter(
                        rows_buf,
                        [jnp.full((16,), g * 16 + k, jnp.int32), iota16],
                        row)
                return carry

            lax.fori_loop(0, groups, group, 0, unroll=2)

            pltpu.async_copy(rows_buf, out_hbm.at[pl.ds(row0 + j * C, C)],
                             osem)

        def body(m, carry):
            do_chunk(2 * m, m, rows0, osem0)
            do_chunk(2 * m + 1, m, rows1, osem1)
            return carry

        lax.fori_loop(0, nchunks // 2, body, 0)
        pltpu.make_async_copy(rows0, out_hbm.at[pl.ds(0, C)], osem0).wait()
        pltpu.make_async_copy(rows1, out_hbm.at[pl.ds(0, C)], osem1).wait()

    return gather_kernel(table_flat, idx2d)


def kernel(x, embed, W1, b1, alpha, W2, b2):
    B = x.size
    info = plsc.get_sparse_core_info()
    nc, ns = info.num_cores, info.num_subcores
    nw = nc * ns
    C = 320
    per_w = B // nw
    nchunks = per_w // C
    assert B == nw * nchunks * C and nchunks % 2 == 0, (B, nw, nchunks, C)

    table = _mlp_table(embed, W1, b1, alpha, W2, b2)
    idx2d = x.reshape(nw, per_w)
    return _sc_gather(table.reshape(-1), idx2d, nc, ns, nchunks, C)

# --- scband reference (transcript-rebuilt; emitter-appended) ---
"""Pipeline reference for scband-build-model-34385508172113 (READ-ONLY COPY).

The authoritative reference and input builder live on the scoring server;
editing this copy changes nothing except your own understanding.
"""

import jax, jax.numpy as jnp
import numpy as np

VOCAB = 205
EMBED_DIM = 32
HIDDEN = 16
OUT_DIM = 16

def setup_inputs(seed: int = 0) -> dict:
    key = jax.random.key(seed)
    ks = jax.random.split(key, 7)
    x = jax.random.randint(ks[0], (16384, 50), 0, VOCAB, dtype=jnp.int32)
    embed = jax.random.normal(ks[1], (VOCAB, EMBED_DIM), dtype=jnp.float32)
    W1 = jax.random.normal(ks[2], (EMBED_DIM, HIDDEN), dtype=jnp.float32) * 0.1
    b1 = jnp.zeros((HIDDEN,), dtype=jnp.float32)
    alpha = jnp.full((1,), 0.25, dtype=jnp.float32)
    W2 = jax.random.normal(ks[3], (HIDDEN, OUT_DIM), dtype=jnp.float32) * 0.1
    b2 = jnp.zeros((OUT_DIM,), dtype=jnp.float32)
    return {"x": x, "embed": embed, "W1": W1, "b1": b1, "alpha": alpha, "W2": W2, "b2": b2}

def reference(x, embed, W1, b1, alpha, W2, b2):
    # nn.Embedding lookup
    e = jnp.take(embed, x, axis=0)
    # view(-1, site_embed_dim)
    e = e.reshape(-1, EMBED_DIM)
    # Linear(32, 16)
    h = e @ W1 + b1
    # PReLU (single shared alpha, torch default)
    h = jnp.maximum(h, 0.0) + alpha * jnp.minimum(h, 0.0)
    # Linear(16, 16)
    out = h @ W2 + b2
    return out

if __name__ == "__main__":
    import jax
    _d = setup_inputs()
    print(jax.jit(kernel)(*tuple(_d.values())))

</pallas_src>

<mosaic_0001>
#map = affine_map<(d0, d1) -> (0)>
#map1 = affine_map<(d0, d1) -> (0, 0)>
module attributes {stable_mosaic.version = 14 : i64} {
  func.func @gather_kernel(%arg0: i32, %arg1: i32, %arg2: memref<3280xf32, #tpu.memory_space<hbm>>, %arg3: memref<32x25600xi32, #tpu.memory_space<hbm>>, %arg4: memref<819200x16xf32, #tpu.memory_space<hbm>>, %arg5: memref<3280xf32, #tpu.memory_space<vmem>>, %arg6: memref<25600xi32, #tpu.memory_space<vmem>>, %arg7: memref<320x16xf32, #tpu.memory_space<vmem>>, %arg8: memref<320x16xf32, #tpu.memory_space<vmem>>, %arg9: memref<!tpu.dma_semaphore, #tpu.memory_space<semaphore_mem>>, %arg10: memref<!tpu.dma_semaphore, #tpu.memory_space<semaphore_mem>>) attributes {dimension_semantics = [#tpu.dimension_semantics<core_parallel>, #tpu.dimension_semantics<subcore_parallel>], iteration_bounds = array<i64: 2, 16>, scalar_prefetch = 0 : i64, scratch_operands = 6 : i64, tpu.core_type = #tpu.core_type<sc_vector_subcore>, window_params = [{transform_indices = #map}, {transform_indices = #map1}, {transform_indices = #map1}]} {
    %mul3A = arith.constant 2 : i32
    %mul3A_0 = arith.muli %arg1, %mul3A : i32
    %add3A = arith.addi %mul3A_0, %arg0 : i32
    %mul3A_1 = arith.constant 25600 : i32
    %mul3A_2 = arith.muli %add3A, %mul3A_1 : i32
    "tpu.region"() ({
      %run_scoped3A = tpu.sem_alloc : memref<!tpu.dma_semaphore, #tpu.memory_space<semaphore_mem>>
      tpu.enqueue_dma source(%arg2 : memref<3280xf32, #tpu.memory_space<hbm>>) target(%arg5 : memref<3280xf32, #tpu.memory_space<vmem>>) target_semaphore(%run_scoped3A : memref<!tpu.dma_semaphore, #tpu.memory_space<semaphore_mem>>)
      tpu.wait_dma2 semaphore(%run_scoped3A : memref<!tpu.dma_semaphore, #tpu.memory_space<semaphore_mem>>) src(%arg2 : memref<3280xf32, #tpu.memory_space<hbm>>) dst(%arg5 : memref<3280xf32, #tpu.memory_space<vmem>>)
      tpu.yield
    }) : () -> ()
    "tpu.region"() ({
      %run_scoped3A = tpu.sem_alloc : memref<!tpu.dma_semaphore, #tpu.memory_space<semaphore_mem>>
      %dma_start3A = arith.constant 0 : i32
      %dma_start3A_50 = tpu.memref_slice %arg3[%add3A, %dma_start3A] : memref<32x25600xi32, #tpu.memory_space<hbm>> -> memref<1x25600xi32, #tpu.memory_space<hbm>>
      %dma_start3A_51 = tpu.memref_squeeze %dma_start3A_50 : memref<1x25600xi32, #tpu.memory_space<hbm>> -> memref<25600xi32, #tpu.memory_space<hbm>>
      %dma_start3A_52 = arith.constant 0 : i32
      %dma_start3A_53 = tpu.memref_slice %arg3[%add3A, %dma_start3A_52] : memref<32x25600xi32, #tpu.memory_space<hbm>> -> memref<1x25600xi32, #tpu.memory_space<hbm>>
      %dma_start3A_54 = tpu.memref_squeeze %dma_start3A_53 : memref<1x25600xi32, #tpu.memory_space<hbm>> -> memref<25600xi32, #tpu.memory_space<hbm>>
      tpu.enqueue_dma source(%dma_start3A_54 : memref<25600xi32, #tpu.memory_space<hbm>>) target(%arg6 : memref<25600xi32, #tpu.memory_space<vmem>>) target_semaphore(%run_scoped3A : memref<!tpu.dma_semaphore, #tpu.memory_space<semaphore_mem>>)
      %dma_wait3A_55 = arith.constant 0 : i32
      %dma_wait3A_56 = tpu.memref_slice %arg3[%add3A, %dma_wait3A_55] : memref<32x25600xi32, #tpu.memory_space<hbm>> -> memref<1x25600xi32, #tpu.memory_space<hbm>>
      %dma_wait3A_57 = tpu.memref_squeeze %dma_wait3A_56 : memref<1x25600xi32, #tpu.memory_space<hbm>> -> memref<25600xi32, #tpu.memory_space<hbm>>
      %dma_wait3A_58 = arith.constant 0 : i32
      %dma_wait3A_59 = tpu.memref_slice %arg3[%add3A, %dma_wait3A_58] : memref<32x25600xi32, #tpu.memory_space<hbm>> -> memref<1x25600xi32, #tpu.memory_space<hbm>>
      %dma_wait3A_60 = tpu.memref_squeeze %dma_wait3A_59 : memref<1x25600xi32, #tpu.memory_space<hbm>> -> memref<25600xi32, #tpu.memory_space<hbm>>
      tpu.wait_dma2 semaphore(%run_scoped3A : memref<!tpu.dma_semaphore, #tpu.memory_space<semaphore_mem>>) src(%dma_wait3A_60 : memref<25600xi32, #tpu.memory_space<hbm>>) dst(%arg6 : memref<25600xi32, #tpu.memory_space<vmem>>)
      tpu.yield
    }) : () -> ()
    %iota3A = tpu.iota {dimensions = array<i32: 0>} : vector<16xi32>
    %broadcast_in_dim3A = arith.constant 0 : i32
    %broadcast_in_dim3A_3 = vector.broadcast %broadcast_in_dim3A : i32 to vector<16x1xi32>
    %broadcast_in_dim3A_4 = arith.constant 1 : i32
    %broadcast_in_dim3A_5 = vector.broadcast %broadcast_in_dim3A_4 : i32 to vector<16x1xi32>
    %broadcast_in_dim3A_6 = arith.constant 2 : i32
    %broadcast_in_dim3A_7 = vector.broadcast %broadcast_in_dim3A_6 : i32 to vector<16x1xi32>
    %broadcast_in_dim3A_8 = arith.constant 3 : i32
    %broadcast_in_dim3A_9 = vector.broadcast %broadcast_in_dim3A_8 : i32 to vector<16x1xi32>
    %broadcast_in_dim3A_10 = arith.constant 4 : i32
    %broadcast_in_dim3A_11 = vector.broadcast %broadcast_in_dim3A_10 : i32 to vector<16x1xi32>
    %broadcast_in_dim3A_12 = arith.constant 5 : i32
    %broadcast_in_dim3A_13 = vector.broadcast %broadcast_in_dim3A_12 : i32 to vector<16x1xi32>
    %broadcast_in_dim3A_14 = arith.constant 6 : i32
    %broadcast_in_dim3A_15 = vector.broadcast %broadcast_in_dim3A_14 : i32 to vector<16x1xi32>
    %broadcast_in_dim3A_16 = arith.constant 7 : i32
    %broadcast_in_dim3A_17 = vector.broadcast %broadcast_in_dim3A_16 : i32 to vector<16x1xi32>
    %broadcast_in_dim3A_18 = arith.constant 8 : i32
    %broadcast_in_dim3A_19 = vector.broadcast %broadcast_in_dim3A_18 : i32 to vector<16x1xi32>
    %broadcast_in_dim3A_20 = arith.constant 9 : i32
    %broadcast_in_dim3A_21 = vector.broadcast %broadcast_in_dim3A_20 : i32 to vector<16x1xi32>
    %broadcast_in_dim3A_22 = arith.constant 10 : i32
    %broadcast_in_dim3A_23 = vector.broadcast %broadcast_in_dim3A_22 : i32 to vector<16x1xi32>
    %broadcast_in_dim3A_24 = arith.constant 11 : i32
    %broadcast_in_dim3A_25 = vector.broadcast %broadcast_in_dim3A_24 : i32 to vector<16x1xi32>
    %broadcast_in_dim3A_26 = arith.constant 12 : i32
    %broadcast_in_dim3A_27 = vector.broadcast %broadcast_in_dim3A_26 : i32 to vector<16x1xi32>
    %broadcast_in_dim3A_28 = arith.constant 13 : i32
    %broadcast_in_dim3A_29 = vector.broadcast %broadcast_in_dim3A_28 : i32 to vector<16x1xi32>
    %broadcast_in_dim3A_30 = arith.constant 14 : i32
    %broadcast_in_dim3A_31 = vector.broadcast %broadcast_in_dim3A_30 : i32 to vector<16x1xi32>
    %broadcast_in_dim3A_32 = arith.constant 15 : i32
    %broadcast_in_dim3A_33 = vector.broadcast %broadcast_in_dim3A_32 : i32 to vector<16x1xi32>
    %scan3A = arith.constant 0 : i32
    %scan3A_34 = arith.constant 0 : i32
    %scan3A_35 = arith.constant 40 : i32
    %scan3A_36 = arith.addi %scan3A_34, %scan3A_35 : i32
    %scan3A_37 = arith.constant 1 : i32
    scf.for %scan3A_50 = %scan3A_34 to %scan3A_36 step %scan3A_37  : i32 {
      %mul3A_51 = arith.constant 2 : i32
      %mul3A_52 = arith.muli %mul3A_51, %scan3A_50 : i32
      %ge3A = arith.constant 1 : i32
      %ge3A_53 = arith.cmpi sge, %scan3A_50, %ge3A : i32
      %convert_element_type3A = arith.extui %ge3A_53 : i1 to i32
      %cond3A = arith.constant 0 : i32
      %cond3A_54 = arith.cmpi ne, %convert_element_type3A, %cond3A : i32
      scf.if %cond3A_54 {
        %dma_wait3A_89 = arith.constant 0 : i32
        %dma_wait3A_90 = arith.constant 0 : i32
        %dma_wait3A_91 = tpu.memref_slice %arg4[%dma_wait3A_89, %dma_wait3A_90] : memref<819200x16xf32, #tpu.memory_space<hbm>> -> memref<320x16xf32, #tpu.memory_space<hbm>>
        %dma_wait3A_92 = arith.constant 0 : i32
        %dma_wait3A_93 = arith.constant 0 : i32
        %dma_wait3A_94 = tpu.memref_slice %arg4[%dma_wait3A_92, %dma_wait3A_93] : memref<819200x16xf32, #tpu.memory_space<hbm>> -> memref<320x16xf32, #tpu.memory_space<hbm>>
        tpu.wait_dma2 semaphore(%arg9 : memref<!tpu.dma_semaphore, #tpu.memory_space<semaphore_mem>>) src(%arg7 : memref<320x16xf32, #tpu.memory_space<vmem>>) dst(%dma_wait3A_94 : memref<320x16xf32, #tpu.memory_space<hbm>>)
      } else {
      }
      %scan3A_55 = arith.constant 0 : i32
      %scan3A_56 = arith.constant 0 : i32
      %scan3A_57 = arith.constant 20 : i32
      %scan3A_58 = arith.addi %scan3A_56, %scan3A_57 : i32
      %scan3A_59 = arith.constant 2 : i32
      scf.for %scan3A_89 = %scan3A_56 to %scan3A_58 step %scan3A_59  : i32 {
        %mul3A_90 = arith.constant 320 : i32
        %mul3A_91 = arith.muli %mul3A_52, %mul3A_90 : i32
        %mul3A_92 = arith.constant 16 : i32
        %mul3A_93 = arith.muli %scan3A_89, %mul3A_92 : i32
        %add3A_94 = arith.addi %mul3A_91, %mul3A_93 : i32
        %get3A = arith.index_cast %add3A_94 : i32 to index
        %get3A_95 = tpu.vector_load %arg6[%get3A] {strides = array<i32>} : memref<25600xi32, #tpu.memory_space<vmem>>, vector<16xi32>,
        %mul3A_96 = arith.constant 16 : i32
        %mul3A_97 = vector.broadcast %mul3A_96 : i32 to vector<16xi32>
        %mul3A_98 = arith.muli %get3A_95, %mul3A_97 : vector<16xi32>
        %gather3A = vector.shape_cast %broadcast_in_dim3A_3 : vector<16x1xi32> to vector<16xi32>
        %gather3A_99 = tpu.dynamic_gather %mul3A_98[%gather3A] in [0] : vector<16xi32>, vector<16xi32> -> vector<16xi32>
        %add3A_100 = arith.addi %gather3A_99, %iota3A : vector<16xi32>
        %gather3A_101 = tpu.vector_load_idx %arg5[%add3A_100] : memref<3280xf32, #tpu.memory_space<vmem>>[vector<16xi32>], vector<16xf32>,
        %mul3A_102 = arith.constant 16 : i32
        %mul3A_103 = arith.muli %scan3A_89, %mul3A_102 : i32
        %add3A_104 = arith.constant 0 : i32
        %add3A_105 = arith.addi %mul3A_103, %add3A_104 : i32
        %broadcast_in_dim3A_106 = vector.broadcast %add3A_105 : i32 to vector<16xi32>
        tpu.vector_store_idx %arg7[%broadcast_in_dim3A_106, %iota3A], %gather3A_101 : memref<320x16xf32, #tpu.memory_space<vmem>>[vector<16xi32>, vector<16xi32>], vector<16xf32>,
        %gather3A_107 = vector.shape_cast %broadcast_in_dim3A_5 : vector<16x1xi32> to vector<16xi32>
        %gather3A_108 = tpu.dynamic_gather %mul3A_98[%gather3A_107] in [0] : vector<16xi32>, vector<16xi32> -> vector<16xi32>
        %add3A_109 = arith.addi %gather3A_108, %iota3A : vector<16xi32>
        %gather3A_110 = tpu.vector_load_idx %arg5[%add3A_109] : memref<3280xf32, #tpu.memory_space<vmem>>[vector<16xi32>], vector<16xf32>,
        %mul3A_111 = arith.constant 16 : i32
        %mul3A_112 = arith.muli %scan3A_89, %mul3A_111 : i32
        %add3A_113 = arith.constant 1 : i32
        %add3A_114 = arith.addi %mul3A_112, %add3A_113 : i32
        %broadcast_in_dim3A_115 = vector.broadcast %add3A_114 : i32 to vector<16xi32>
        tpu.vector_store_idx %arg7[%broadcast_in_dim3A_115, %iota3A], %gather3A_110 : memref<320x16xf32, #tpu.memory_space<vmem>>[vector<16xi32>, vector<16xi32>], vector<16xf32>,
        %gather3A_116 = vector.shape_cast %broadcast_in_dim3A_7 : vector<16x1xi32> to vector<16xi32>
        %gather3A_117 = tpu.dynamic_gather %mul3A_98[%gather3A_116] in [0] : vector<16xi32>, vector<16xi32> -> vector<16xi32>
        %add3A_118 = arith.addi %gather3A_117, %iota3A : vector<16xi32>
        %gather3A_119 = tpu.vector_load_idx %arg5[%add3A_118] : memref<3280xf32, #tpu.memory_space<vmem>>[vector<16xi32>], vector<16xf32>,
        %mul3A_120 = arith.constant 16 : i32
        %mul3A_121 = arith.muli %scan3A_89, %mul3A_120 : i32
        %add3A_122 = arith.constant 2 : i32
        %add3A_123 = arith.addi %mul3A_121, %add3A_122 : i32
        %broadcast_in_dim3A_124 = vector.broadcast %add3A_123 : i32 to vector<16xi32>
        tpu.vector_store_idx %arg7[%broadcast_in_dim3A_124, %iota3A], %gather3A_119 : memref<320x16xf32, #tpu.memory_space<vmem>>[vector<16xi32>, vector<16xi32>], vector<16xf32>,
        %gather3A_125 = vector.shape_cast %broadcast_in_dim3A_9 : vector<16x1xi32> to vector<16xi32>
        %gather3A_126 = tpu.dynamic_gather %mul3A_98[%gather3A_125] in [0] : vector<16xi32>, vector<16xi32> -> vector<16xi32>
        %add3A_127 = arith.addi %gather3A_126, %iota3A : vector<16xi32>
        %gather3A_128 = tpu.vector_load_idx %arg5[%add3A_127] : memref<3280xf32, #tpu.memory_space<vmem>>[vector<16xi32>], vector<16xf32>,
        %mul3A_129 = arith.constant 16 : i32
        %mul3A_130 = arith.muli %scan3A_89, %mul3A_129 : i32
        %add3A_131 = arith.constant 3 : i32
        %add3A_132 = arith.addi %mul3A_130, %add3A_131 : i32
        %broadcast_in_dim3A_133 = vector.broadcast %add3A_132 : i32 to vector<16xi32>
        tpu.vector_store_idx %arg7[%broadcast_in_dim3A_133, %iota3A], %gather3A_128 : memref<320x16xf32, #tpu.memory_space<vmem>>[vector<16xi32>, vector<16xi32>], vector<16xf32>,
        %gather3A_134 = vector.shape_cast %broadcast_in_dim3A_11 : vector<16x1xi32> to vector<16xi32>
        %gather3A_135 = tpu.dynamic_gather %mul3A_98[%gather3A_134] in [0] : vector<16xi32>, vector<16xi32> -> vector<16xi32>
        %add3A_136 = arith.addi %gather3A_135, %iota3A : vector<16xi32>
        %gather3A_137 = tpu.vector_load_idx %arg5[%add3A_136] : memref<3280xf32, #tpu.memory_space<vmem>>[vector<16xi32>], vector<16xf32>,
        %mul3A_138 = arith.constant 16 : i32
        %mul3A_139 = arith.muli %scan3A_89, %mul3A_138 : i32
        %add3A_140 = arith.constant 4 : i32
        %add3A_141 = arith.addi %mul3A_139, %add3A_140 : i32
        %broadcast_in_dim3A_142 = vector.broadcast %add3A_141 : i32 to vector<16xi32>
        tpu.vector_store_idx %arg7[%broadcast_in_dim3A_142, %iota3A], %gather3A_137 : memref<320x16xf32, #tpu.memory_space<vmem>>[vector<16xi32>, vector<16xi32>], vector<16xf32>,
        %gather3A_143 = vector.shape_cast %broadcast_in_dim3A_13 : vector<16x1xi32> to vector<16xi32>
        %gather3A_144 = tpu.dynamic_gather %mul3A_98[%gather3A_143] in [0] : vector<16xi32>, vector<16xi32> -> vector<16xi32>
        %add3A_145 = arith.addi %gather3A_144, %iota3A : vector<16xi32>
        %gather3A_146 = tpu.vector_load_idx %arg5[%add3A_145] : memref<3280xf32, #tpu.memory_space<vmem>>[vector<16xi32>], vector<16xf32>,
        %mul3A_147 = arith.constant 16 : i32
        %mul3A_148 = arith.muli %scan3A_89, %mul3A_147 : i32
        %add3A_149 = arith.constant 5 : i32
        %add3A_150 = arith.addi %mul3A_148, %add3A_149 : i32
        %broadcast_in_dim3A_151 = vector.broadcast %add3A_150 : i32 to vector<16xi32>
        tpu.vector_store_idx %arg7[%broadcast_in_dim3A_151, %iota3A], %gather3A_146 : memref<320x16xf32, #tpu.memory_space<vmem>>[vector<16xi32>, vector<16xi32>], vector<16xf32>,
        %gather3A_152 = vector.shape_cast %broadcast_in_dim3A_15 : vector<16x1xi32> to vector<16xi32>
        %gather3A_153 = tpu.dynamic_gather %mul3A_98[%gather3A_152] in [0] : vector<16xi32>, vector<16xi32> -> vector<16xi32>
        %add3A_154 = arith.addi %gather3A_153, %iota3A : vector<16xi32>
        %gather3A_155 = tpu.vector_load_idx %arg5[%add3A_154] : memref<3280xf32, #tpu.memory_space<vmem>>[vector<16xi32>], vector<16xf32>,
        %mul3A_156 = arith.constant 16 : i32
        %mul3A_157 = arith.muli %scan3A_89, %mul3A_156 : i32
        %add3A_158 = arith.constant 6 : i32
        %add3A_159 = arith.addi %mul3A_157, %add3A_158 : i32
        %broadcast_in_dim3A_160 = vector.broadcast %add3A_159 : i32 to vector<16xi32>
        tpu.vector_store_idx %arg7[%broadcast_in_dim3A_160, %iota3A], %gather3A_155 : memref<320x16xf32, #tpu.memory_space<vmem>>[vector<16xi32>, vector<16xi32>], vector<16xf32>,
        %gather3A_161 = vector.shape_cast %broadcast_in_dim3A_17 : vector<16x1xi32> to vector<16xi32>
        %gather3A_162 = tpu.dynamic_gather %mul3A_98[%gather3A_161] in [0] : vector<16xi32>, vector<16xi32> -> vector<16xi32>
        %add3A_163 = arith.addi %gather3A_162, %iota3A : vector<16xi32>
        %gather3A_164 = tpu.vector_load_idx %arg5[%add3A_163] : memref<3280xf32, #tpu.memory_space<vmem>>[vector<16xi32>], vector<16xf32>,
        %mul3A_165 = arith.constant 16 : i32
        %mul3A_166 = arith.muli %scan3A_89, %mul3A_165 : i32
        %add3A_167 = arith.constant 7 : i32
        %add3A_168 = arith.addi %mul3A_166, %add3A_167 : i32
        %broadcast_in_dim3A_169 = vector.broadcast %add3A_168 : i32 to vector<16xi32>
        tpu.vector_store_idx %arg7[%broadcast_in_dim3A_169, %iota3A], %gather3A_164 : memref<320x16xf32, #tpu.memory_space<vmem>>[vector<16xi32>, vector<16xi32>], vector<16xf32>,
        %gather3A_170 = vector.shape_cast %broadcast_in_dim3A_19 : vector<16x1xi32> to vector<16xi32>
        %gather3A_171 = tpu.dynamic_gather %mul3A_98[%gather3A_170] in [0] : vector<16xi32>, vector<16xi32> -> vector<16xi32>
        %add3A_172 = arith.addi %gather3A_171, %iota3A : vector<16xi32>
        %gather3A_173 = tpu.vector_load_idx %arg5[%add3A_172] : memref<3280xf32, #tpu.memory_space<vmem>>[vector<16xi32>], vector<16xf32>,
        %mul3A_174 = arith.constant 16 : i32
        %mul3A_175 = arith.muli %scan3A_89, %mul3A_174 : i32
        %add3A_176 = arith.constant 8 : i32
        %add3A_177 = arith.addi %mul3A_175, %add3A_176 : i32
        %broadcast_in_dim3A_178 = vector.broadcast %add3A_177 : i32 to vector<16xi32>
        tpu.vector_store_idx %arg7[%broadcast_in_dim3A_178, %iota3A], %gather3A_173 : memref<320x16xf32, #tpu.memory_space<vmem>>[vector<16xi32>, vector<16xi32>], vector<16xf32>,
        %gather3A_179 = vector.shape_cast %broadcast_in_dim3A_21 : vector<16x1xi32> to vector<16xi32>
        %gather3A_180 = tpu.dynamic_gather %mul3A_98[%gather3A_179] in [0] : vector<16xi32>, vector<16xi32> -> vector<16xi32>
        %add3A_181 = arith.addi %gather3A_180, %iota3A : vector<16xi32>
        %gather3A_182 = tpu.vector_load_idx %arg5[%add3A_181] : memref<3280xf32, #tpu.memory_space<vmem>>[vector<16xi32>], vector<16xf32>,
        %mul3A_183 = arith.constant 16 : i32
        %mul3A_184 = arith.muli %scan3A_89, %mul3A_183 : i32
        %add3A_185 = arith.constant 9 : i32
        %add3A_186 = arith.addi %mul3A_184, %add3A_185 : i32
        %broadcast_in_dim3A_187 = vector.broadcast %add3A_186 : i32 to vector<16xi32>
        tpu.vector_store_idx %arg7[%broadcast_in_dim3A_187, %iota3A], %gather3A_182 : memref<320x16xf32, #tpu.memory_space<vmem>>[vector<16xi32>, vector<16xi32>], vector<16xf32>,
        %gather3A_188 = vector.shape_cast %broadcast_in_dim3A_23 : vector<16x1xi32> to vector<16xi32>
        %gather3A_189 = tpu.dynamic_gather %mul3A_98[%gather3A_188] in [0] : vector<16xi32>, vector<16xi32> -> vector<16xi32>
        %add3A_190 = arith.addi %gather3A_189, %iota3A : vector<16xi32>
        %gather3A_191 = tpu.vector_load_idx %arg5[%add3A_190] : memref<3280xf32, #tpu.memory_space<vmem>>[vector<16xi32>], vector<16xf32>,
        %mul3A_192 = arith.constant 16 : i32
        %mul3A_193 = arith.muli %scan3A_89, %mul3A_192 : i32
        %add3A_194 = arith.constant 10 : i32
        %add3A_195 = arith.addi %mul3A_193, %add3A_194 : i32
        %broadcast_in_dim3A_196 = vector.broadcast %add3A_195 : i32 to vector<16xi32>
        tpu.vector_store_idx %arg7[%broadcast_in_dim3A_196, %iota3A], %gather3A_191 : memref<320x16xf32, #tpu.memory_space<vmem>>[vector<16xi32>, vector<16xi32>], vector<16xf32>,
        %gather3A_197 = vector.shape_cast %broadcast_in_dim3A_25 : vector<16x1xi32> to vector<16xi32>
        %gather3A_198 = tpu.dynamic_gather %mul3A_98[%gather3A_197] in [0] : vector<16xi32>, vector<16xi32> -> vector<16xi32>
        %add3A_199 = arith.addi %gather3A_198, %iota3A : vector<16xi32>
        %gather3A_200 = tpu.vector_load_idx %arg5[%add3A_199] : memref<3280xf32, #tpu.memory_space<vmem>>[vector<16xi32>], vector<16xf32>,
        %mul3A_201 = arith.constant 16 : i32
        %mul3A_202 = arith.muli %scan3A_89, %mul3A_201 : i32
        %add3A_203 = arith.constant 11 : i32
        %add3A_204 = arith.addi %mul3A_202, %add3A_203 : i32
        %broadcast_in_dim3A_205 = vector.broadcast %add3A_204 : i32 to vector<16xi32>
        tpu.vector_store_idx %arg7[%broadcast_in_dim3A_205, %iota3A], %gather3A_200 : memref<320x16xf32, #tpu.memory_space<vmem>>[vector<16xi32>, vector<16xi32>], vector<16xf32>,
        %gather3A_206 = vector.shape_cast %broadcast_in_dim3A_27 : vector<16x1xi32> to vector<16xi32>
        %gather3A_207 = tpu.dynamic_gather %mul3A_98[%gather3A_206] in [0] : vector<16xi32>, vector<16xi32> -> vector<16xi32>
        %add3A_208 = arith.addi %gather3A_207, %iota3A : vector<16xi32>
        %gather3A_209 = tpu.vector_load_idx %arg5[%add3A_208] : memref<3280xf32, #tpu.memory_space<vmem>>[vector<16xi32>], vector<16xf32>,
        %mul3A_210 = arith.constant 16 : i32
        %mul3A_211 = arith.muli %scan3A_89, %mul3A_210 : i32
        %add3A_212 = arith.constant 12 : i32
        %add3A_213 = arith.addi %mul3A_211, %add3A_212 : i32
        %broadcast_in_dim3A_214 = vector.broadcast %add3A_213 : i32 to vector<16xi32>
        tpu.vector_store_idx %arg7[%broadcast_in_dim3A_214, %iota3A], %gather3A_209 : memref<320x16xf32, #tpu.memory_space<vmem>>[vector<16xi32>, vector<16xi32>], vector<16xf32>,
        %gather3A_215 = vector.shape_cast %broadcast_in_dim3A_29 : vector<16x1xi32> to vector<16xi32>
        %gather3A_216 = tpu.dynamic_gather %mul3A_98[%gather3A_215] in [0] : vector<16xi32>, vector<16xi32> -> vector<16xi32>
        %add3A_217 = arith.addi %gather3A_216, %iota3A : vector<16xi32>
        %gather3A_218 = tpu.vector_load_idx %arg5[%add3A_217] : memref<3280xf32, #tpu.memory_space<vmem>>[vector<16xi32>], vector<16xf32>,
        %mul3A_219 = arith.constant 16 : i32
        %mul3A_220 = arith.muli %scan3A_89, %mul3A_219 : i32
        %add3A_221 = arith.constant 13 : i32
        %add3A_222 = arith.addi %mul3A_220, %add3A_221 : i32
        %broadcast_in_dim3A_223 = vector.broadcast %add3A_222 : i32 to vector<16xi32>
        tpu.vector_store_idx %arg7[%broadcast_in_dim3A_223, %iota3A], %gather3A_218 : memref<320x16xf32, #tpu.memory_space<vmem>>[vector<16xi32>, vector<16xi32>], vector<16xf32>,
        %gather3A_224 = vector.shape_cast %broadcast_in_dim3A_31 : vector<16x1xi32> to vector<16xi32>
        %gather3A_225 = tpu.dynamic_gather %mul3A_98[%gather3A_224] in [0] : vector<16xi32>, vector<16xi32> -> vector<16xi32>
        %add3A_226 = arith.addi %gather3A_225, %iota3A : vector<16xi32>
        %gather3A_227 = tpu.vector_load_idx %arg5[%add3A_226] : memref<3280xf32, #tpu.memory_space<vmem>>[vector<16xi32>], vector<16xf32>,
        %mul3A_228 = arith.constant 16 : i32
        %mul3A_229 = arith.muli %scan3A_89, %mul3A_228 : i32
        %add3A_230 = arith.constant 14 : i32
        %add3A_231 = arith.addi %mul3A_229, %add3A_230 : i32
        %broadcast_in_dim3A_232 = vector.broadcast %add3A_231 : i32 to vector<16xi32>
        tpu.vector_store_idx %arg7[%broadcast_in_dim3A_232, %iota3A], %gather3A_227 : memref<320x16xf32, #tpu.memory_space<vmem>>[vector<16xi32>, vector<16xi32>], vector<16xf32>,
        %gather3A_233 = vector.shape_cast %broadcast_in_dim3A_33 : vector<16x1xi32> to vector<16xi32>
        %gather3A_234 = tpu.dynamic_gather %mul3A_98[%gather3A_233] in [0] : vector<16xi32>, vector<16xi32> -> vector<16xi32>
        %add3A_235 = arith.addi %gather3A_234, %iota3A : vector<16xi32>
        %gather3A_236 = tpu.vector_load_idx %arg5[%add3A_235] : memref<3280xf32, #tpu.memory_space<vmem>>[vector<16xi32>], vector<16xf32>,
        %mul3A_237 = arith.constant 16 : i32
        %mul3A_238 = arith.muli %scan3A_89, %mul3A_237 : i32
        %add3A_239 = arith.constant 15 : i32
        %add3A_240 = arith.addi %mul3A_238, %add3A_239 : i32
        %broadcast_in_dim3A_241 = vector.broadcast %add3A_240 : i32 to vector<16xi32>
        tpu.vector_store_idx %arg7[%broadcast_in_dim3A_241, %iota3A], %gather3A_236 : memref<320x16xf32, #tpu.memory_space<vmem>>[vector<16xi32>, vector<16xi32>], vector<16xf32>,
        %scan3A_242 = arith.constant 1 : i32
        %scan3A_243 = arith.addi %scan3A_89, %scan3A_242 : i32
        %mul3A_244 = arith.constant 320 : i32
        %mul3A_245 = arith.muli %mul3A_52, %mul3A_244 : i32
        %mul3A_246 = arith.constant 16 : i32
        %mul3A_247 = arith.muli %scan3A_243, %mul3A_246 : i32
        %add3A_248 = arith.addi %mul3A_245, %mul3A_247 : i32
        %get3A_249 = arith.index_cast %add3A_248 : i32 to index
        %get3A_250 = tpu.vector_load %arg6[%get3A_249] {strides = array<i32>} : memref<25600xi32, #tpu.memory_space<vmem>>, vector<16xi32>,
        %mul3A_251 = arith.constant 16 : i32
        %mul3A_252 = vector.broadcast %mul3A_251 : i32 to vector<16xi32>
        %mul3A_253 = arith.muli %get3A_250, %mul3A_252 : vector<16xi32>
        %gather3A_254 = vector.shape_cast %broadcast_in_dim3A_3 : vector<16x1xi32> to vector<16xi32>
        %gather3A_255 = tpu.dynamic_gather %mul3A_253[%gather3A_254] in [0] : vector<16xi32>, vector<16xi32> -> vector<16xi32>
        %add3A_256 = arith.addi %gather3A_255, %iota3A : vector<16xi32>
        %gather3A_257 = tpu.vector_load_idx %arg5[%add3A_256] : memref<3280xf32, #tpu.memory_space<vmem>>[vector<16xi32>], vector<16xf32>,
        %mul3A_258 = arith.constant 16 : i32
        %mul3A_259 = arith.muli %scan3A_243, %mul3A_258 : i32
        %add3A_260 = arith.constant 0 : i32
        %add3A_261 = arith.addi %mul3A_259, %add3A_260 : i32
        %broadcast_in_dim3A_262 = vector.broadcast %add3A_261 : i32 to vector<16xi32>
        tpu.vector_store_idx %arg7[%broadcast_in_dim3A_262, %iota3A], %gather3A_257 : memref<320x16xf32, #tpu.memory_space<vmem>>[vector<16xi32>, vector<16xi32>], vector<16xf32>,
        %gather3A_263 = vector.shape_cast %broadcast_in_dim3A_5 : vector<16x1xi32> to vector<16xi32>
        %gather3A_264 = tpu.dynamic_gather %mul3A_253[%gather3A_263] in [0] : vector<16xi32>, vector<16xi32> -> vector<16xi32>
        %add3A_265 = arith.addi %gather3A_264, %iota3A : vector<16xi32>
        %gather3A_266 = tpu.vector_load_idx %arg5[%add3A_265] : memref<3280xf32, #tpu.memory_space<vmem>>[vector<16xi32>], vector<16xf32>,
        %mul3A_267 = arith.constant 16 : i32
        %mul3A_268 = arith.muli %scan3A_243, %mul3A_267 : i32
        %add3A_269 = arith.constant 1 : i32
        %add3A_270 = arith.addi %mul3A_268, %add3A_269 : i32
        %broadcast_in_dim3A_271 = vector.broadcast %add3A_270 : i32 to vector<16xi32>
        tpu.vector_store_idx %arg7[%broadcast_in_dim3A_271, %iota3A], %gather3A_266 : memref<320x16xf32, #tpu.memory_space<vmem>>[vector<16xi32>, vector<16xi32>], vector<16xf32>,
        %gather3A_272 = vector.shape_cast %broadcast_in_dim3A_7 : vector<16x1xi32> to vector<16xi32>
        %gather3A_273 = tpu.dynamic_gather %mul3A_253[%gather3A_272] in [0] : vector<16xi32>, vector<16xi32> -> vector<16xi32>
        %add3A_274 = arith.addi %gather3A_273, %iota3A : vector<16xi32>
        %gather3A_275 = tpu.vector_load_idx %arg5[%add3A_274] : memref<3280xf32, #tpu.memory_space<vmem>>[vector<16xi32>], vector<16xf32>,
        %mul3A_276 = arith.constant 16 : i32
        %mul3A_277 = arith.muli %scan3A_243, %mul3A_276 : i32
        %add3A_278 = arith.constant 2 : i32
        %add3A_279 = arith.addi %mul3A_277, %add3A_278 : i32
        %broadcast_in_dim3A_280 = vector.broadcast %add3A_279 : i32 to vector<16xi32>
        tpu.vector_store_idx %arg7[%broadcast_in_dim3A_280, %iota3A], %gather3A_275 : memref<320x16xf32, #tpu.memory_space<vmem>>[vector<16xi32>, vector<16xi32>], vector<16xf32>,
        %gather3A_281 = vector.shape_cast %broadcast_in_dim3A_9 : vector<16x1xi32> to vector<16xi32>
        %gather3A_282 = tpu.dynamic_gather %mul3A_253[%gather3A_281] in [0] : vector<16xi32>, vector<16xi32> -> vector<16xi32>
        %add3A_283 = arith.addi %gather3A_282, %iota3A : vector<16xi32>
        %gather3A_284 = tpu.vector_load_idx %arg5[%add3A_283] : memref<3280xf32, #tpu.memory_space<vmem>>[vector<16xi32>], vector<16xf32>,
        %mul3A_285 = arith.constant 16 : i32
        %mul3A_286 = arith.muli %scan3A_243, %mul3A_285 : i32
        %add3A_287 = arith.constant 3 : i32
        %add3A_288 = arith.addi %mul3A_286, %add3A_287 : i32
        %broadcast_in_dim3A_289 = vector.broadcast %add3A_288 : i32 to vector<16xi32>
        tpu.vector_store_idx %arg7[%broadcast_in_dim3A_289, %iota3A], %gather3A_284 : memref<320x16xf32, #tpu.memory_space<vmem>>[vector<16xi32>, vector<16xi32>], vector<16xf32>,
        %gather3A_290 = vector.shape_cast %broadcast_in_dim3A_11 : vector<16x1xi32> to vector<16xi32>
        %gather3A_291 = tpu.dynamic_gather %mul3A_253[%gather3A_290] in [0] : vector<16xi32>, vector<16xi32> -> vector<16xi32>
        %add3A_292 = arith.addi %gather3A_291, %iota3A : vector<16xi32>
        %gather3A_293 = tpu.vector_load_idx %arg5[%add3A_292] : memref<3280xf32, #tpu.memory_space<vmem>>[vector<16xi32>], vector<16xf32>,
        %mul3A_294 = arith.constant 16 : i32
        %mul3A_295 = arith.muli %scan3A_243, %mul3A_294 : i32
        %add3A_296 = arith.constant 4 : i32
        %add3A_297 = arith.addi %mul3A_295, %add3A_296 : i32
        %broadcast_in_dim3A_298 = vector.broadcast %add3A_297 : i32 to vector<16xi32>
        tpu.vector_store_idx %arg7[%broadcast_in_dim3A_298, %iota3A], %gather3A_293 : memref<320x16xf32, #tpu.memory_space<vmem>>[vector<16xi32>, vector<16xi32>], vector<16xf32>,
        %gather3A_299 = vector.shape_cast %broadcast_in_dim3A_13 : vector<16x1xi32> to vector<16xi32>
        %gather3A_300 = tpu.dynamic_gather %mul3A_253[%gather3A_299] in [0] : vector<16xi32>, vector<16xi32> -> vector<16xi32>
        %add3A_301 = arith.addi %gather3A_300, %iota3A : vector<16xi32>
        %gather3A_302 = tpu.vector_load_idx %arg5[%add3A_301] : memref<3280xf32, #tpu.memory_space<vmem>>[vector<16xi32>], vector<16xf32>,
        %mul3A_303 = arith.constant 16 : i32
        %mul3A_304 = arith.muli %scan3A_243, %mul3A_303 : i32
        %add3A_305 = arith.constant 5 : i32
        %add3A_306 = arith.addi %mul3A_304, %add3A_305 : i32
        %broadcast_in_dim3A_307 = vector.broadcast %add3A_306 : i32 to vector<16xi32>
        tpu.vector_store_idx %arg7[%broadcast_in_dim3A_307, %iota3A], %gather3A_302 : memref<320x16xf32, #tpu.memory_space<vmem>>[vector<16xi32>, vector<16xi32>], vector<16xf32>,
        %gather3A_308 = vector.shape_cast %broadcast_in_dim3A_15 : vector<16x1xi32> to vector<16xi32>
        %gather3A_309 = tpu.dynamic_gather %mul3A_253[%gather3A_308] in [0] : vector<16xi32>, vector<16xi32> -> vector<16xi32>
        %add3A_310 = arith.addi %gather3A_309, %iota3A : vector<16xi32>
        %gather3A_311 = tpu.vector_load_idx %arg5[%add3A_310] : memref<3280xf32, #tpu.memory_space<vmem>>[vector<16xi32>], vector<16xf32>,
        %mul3A_312 = arith.constant 16 : i32
        %mul3A_313 = arith.muli %scan3A_243, %mul3A_312 : i32
        %add3A_314 = arith.constant 6 : i32
        %add3A_315 = arith.addi %mul3A_313, %add3A_314 : i32
        %broadcast_in_dim3A_316 = vector.broadcast %add3A_315 : i32 to vector<16xi32>
        tpu.vector_store_idx %arg7[%broadcast_in_dim3A_316, %iota3A], %gather3A_311 : memref<320x16xf32, #tpu.memory_space<vmem>>[vector<16xi32>, vector<16xi32>], vector<16xf32>,
        %gather3A_317 = vector.shape_cast %broadcast_in_dim3A_17 : vector<16x1xi32> to vector<16xi32>
        %gather3A_318 = tpu.dynamic_gather %mul3A_253[%gather3A_317] in [0] : vector<16xi32>, vector<16xi32> -> vector<16xi32>
        %add3A_319 = arith.addi %gather3A_318, %iota3A : vector<16xi32>
        %gather3A_320 = tpu.vector_load_idx %arg5[%add3A_319] : memref<3280xf32, #tpu.memory_space<vmem>>[vector<16xi32>], vector<16xf32>,
        %mul3A_321 = arith.constant 16 : i32
        %mul3A_322 = arith.muli %scan3A_243, %mul3A_321 : i32
        %add3A_323 = arith.constant 7 : i32
        %add3A_324 = arith.addi %mul3A_322, %add3A_323 : i32
        %broadcast_in_dim3A_325 = vector.broadcast %add3A_324 : i32 to vector<16xi32>
        tpu.vector_store_idx %arg7[%broadcast_in_dim3A_325, %iota3A], %gather3A_320 : memref<320x16xf32, #tpu.memory_space<vmem>>[vector<16xi32>, vector<16xi32>], vector<16xf32>,
        %gather3A_326 = vector.shape_cast %broadcast_in_dim3A_19 : vector<16x1xi32> to vector<16xi32>
        %gather3A_327 = tpu.dynamic_gather %mul3A_253[%gather3A_326] in [0] : vector<16xi32>, vector<16xi32> -> vector<16xi32>
        %add3A_328 = arith.addi %gather3A_327, %iota3A : vector<16xi32>
        %gather3A_329 = tpu.vector_load_idx %arg5[%add3A_328] : memref<3280xf32, #tpu.memory_space<vmem>>[vector<16xi32>], vector<16xf32>,
        %mul3A_330 = arith.constant 16 : i32
        %mul3A_331 = arith.muli %scan3A_243, %mul3A_330 : i32
        %add3A_332 = arith.constant 8 : i32
        %add3A_333 = arith.addi %mul3A_331, %add3A_332 : i32
        %broadcast_in_dim3A_334 = vector.broadcast %add3A_333 : i32 to vector<16xi32>
        tpu.vector_store_idx %arg7[%broadcast_in_dim3A_334, %iota3A], %gather3A_329 : memref<320x16xf32, #tpu.memory_space<vmem>>[vector<16xi32>, vector<16xi32>], vector<16xf32>,
        %gather3A_335 = vector.shape_cast %broadcast_in_dim3A_21 : vector<16x1xi32> to vector<16xi32>
        %gather3A_336 = tpu.dynamic_gather %mul3A_253[%gather3A_335] in [0] : vector<16xi32>, vector<16xi32> -> vector<16xi32>
        %add3A_337 = arith.addi %gather3A_336, %iota3A : vector<16xi32>
        %gather3A_338 = tpu.vector_load_idx %arg5[%add3A_337] : memref<3280xf32, #tpu.memory_space<vmem>>[vector<16xi32>], vector<16xf32>,
        %mul3A_339 = arith.constant 16 : i32
        %mul3A_340 = arith.muli %scan3A_243, %mul3A_339 : i32
        %add3A_341 = arith.constant 9 : i32
        %add3A_342 = arith.addi %mul3A_340, %add3A_341 : i32
        %broadcast_in_dim3A_343 = vector.broadcast %add3A_342 : i32 to vector<16xi32>
        tpu.vector_store_idx %arg7[%broadcast_in_dim3A_343, %iota3A], %gather3A_338 : memref<320x16xf32, #tpu.memory_space<vmem>>[vector<16xi32>, vector<16xi32>], vector<16xf32>,
        %gather3A_344 = vector.shape_cast %broadcast_in_dim3A_23 : vector<16x1xi32> to vector<16xi32>
        %gather3A_345 = tpu.dynamic_gather %mul3A_253[%gather3A_344] in [0] : vector<16xi32>, vector<16xi32> -> vector<16xi32>
        %add3A_346 = arith.addi %gather3A_345, %iota3A : vector<16xi32>
        %gather3A_347 = tpu.vector_load_idx %arg5[%add3A_346] : memref<3280xf32, #tpu.memory_space<vmem>>[vector<16xi32>], vector<16xf32>,
        %mul3A_348 = arith.constant 16 : i32
        %mul3A_349 = arith.muli %scan3A_243, %mul3A_348 : i32
        %add3A_350 = arith.constant 10 : i32
        %add3A_351 = arith.addi %mul3A_349, %add3A_350 : i32
        %broadcast_in_dim3A_352 = vector.broadcast %add3A_351 : i32 to vector<16xi32>
        tpu.vector_store_idx %arg7[%broadcast_in_dim3A_352, %iota3A], %gather3A_347 : memref<320x16xf32, #tpu.memory_space<vmem>>[vector<16xi32>, vector<16xi32>], vector<16xf32>,
        %gather3A_353 = vector.shape_cast %broadcast_in_dim3A_25 : vector<16x1xi32> to vector<16xi32>
        %gather3A_354 = tpu.dynamic_gather %mul3A_253[%gather3A_353] in [0] : vector<16xi32>, vector<16xi32> -> vector<16xi32>
        %add3A_355 = arith.addi %gather3A_354, %iota3A : vector<16xi32>
        %gather3A_356 = tpu.vector_load_idx %arg5[%add3A_355] : memref<3280xf32, #tpu.memory_space<vmem>>[vector<16xi32>], vector<16xf32>,
        %mul3A_357 = arith.constant 16 : i32
        %mul3A_358 = arith.muli %scan3A_243, %mul3A_357 : i32
        %add3A_359 = arith.constant 11 : i32
        %add3A_360 = arith.addi %mul3A_358, %add3A_359 : i32
        %broadcast_in_dim3A_361 = vector.broadcast %add3A_360 : i32 to vector<16xi32>
        tpu.vector_store_idx %arg7[%broadcast_in_dim3A_361, %iota3A], %gather3A_356 : memref<320x16xf32, #tpu.memory_space<vmem>>[vector<16xi32>, vector<16xi32>], vector<16xf32>,
        %gather3A_362 = vector.shape_cast %broadcast_in_dim3A_27 : vector<16x1xi32> to vector<16xi32>
        %gather3A_363 = tpu.dynamic_gather %mul3A_253[%gather3A_362] in [0] : vector<16xi32>, vector<16xi32> -> vector<16xi32>
        %add3A_364 = arith.addi %gather3A_363, %iota3A : vector<16xi32>
        %gather3A_365 = tpu.vector_load_idx %arg5[%add3A_364] : memref<3280xf32, #tpu.memory_space<vmem>>[vector<16xi32>], vector<16xf32>,
        %mul3A_366 = arith.constant 16 : i32
        %mul3A_367 = arith.muli %scan3A_243, %mul3A_366 : i32
        %add3A_368 = arith.constant 12 : i32
        %add3A_369 = arith.addi %mul3A_367, %add3A_368 : i32
        %broadcast_in_dim3A_370 = vector.broadcast %add3A_369 : i32 to vector<16xi32>
        tpu.vector_store_idx %arg7[%broadcast_in_dim3A_370, %iota3A], %gather3A_365 : memref<320x16xf32, #tpu.memory_space<vmem>>[vector<16xi32>, vector<16xi32>], vector<16xf32>,
        %gather3A_371 = vector.shape_cast %broadcast_in_dim3A_29 : vector<16x1xi32> to vector<16xi32>
        %gather3A_372 = tpu.dynamic_gather %mul3A_253[%gather3A_371] in [0] : vector<16xi32>, vector<16xi32> -> vector<16xi32>
        %add3A_373 = arith.addi %gather3A_372, %iota3A : vector<16xi32>
        %gather3A_374 = tpu.vector_load_idx %arg5[%add3A_373] : memref<3280xf32, #tpu.memory_space<vmem>>[vector<16xi32>], vector<16xf32>,
        %mul3A_375 = arith.constant 16 : i32
        %mul3A_376 = arith.muli %scan3A_243, %mul3A_375 : i32
        %add3A_377 = arith.constant 13 : i32
        %add3A_378 = arith.addi %mul3A_376, %add3A_377 : i32
        %broadcast_in_dim3A_379 = vector.broadcast %add3A_378 : i32 to vector<16xi32>
        tpu.vector_store_idx %arg7[%broadcast_in_dim3A_379, %iota3A], %gather3A_374 : memref<320x16xf32, #tpu.memory_space<vmem>>[vector<16xi32>, vector<16xi32>], vector<16xf32>,
        %gather3A_380 = vector.shape_cast %broadcast_in_dim3A_31 : vector<16x1xi32> to vector<16xi32>
        %gather3A_381 = tpu.dynamic_gather %mul3A_253[%gather3A_380] in [0] : vector<16xi32>, vector<16xi32> -> vector<16xi32>
        %add3A_382 = arith.addi %gather3A_381, %iota3A : vector<16xi32>
        %gather3A_383 = tpu.vector_load_idx %arg5[%add3A_382] : memref<3280xf32, #tpu.memory_space<vmem>>[vector<16xi32>], vector<16xf32>,
        %mul3A_384 = arith.constant 16 : i32
        %mul3A_385 = arith.muli %scan3A_243, %mul3A_384 : i32
        %add3A_386 = arith.constant 14 : i32
        %add3A_387 = arith.addi %mul3A_385, %add3A_386 : i32
        %broadcast_in_dim3A_388 = vector.broadcast %add3A_387 : i32 to vector<16xi32>
        tpu.vector_store_idx %arg7[%broadcast_in_dim3A_388, %iota3A], %gather3A_383 : memref<320x16xf32, #tpu.memory_space<vmem>>[vector<16xi32>, vector<16xi32>], vector<16xf32>,
        %gather3A_389 = vector.shape_cast %broadcast_in_dim3A_33 : vector<16x1xi32> to vector<16xi32>
        %gather3A_390 = tpu.dynamic_gather %mul3A_253[%gather3A_389] in [0] : vector<16xi32>, vector<16xi32> -> vector<16xi32>
        %add3A_391 = arith.addi %gather3A_390, %iota3A : vector<16xi32>
        %gather3A_392 = tpu.vector_load_idx %arg5[%add3A_391] : memref<3280xf32, #tpu.memory_space<vmem>>[vector<16xi32>], vector<16xf32>,
        %mul3A_393 = arith.constant 16 : i32
        %mul3A_394 = arith.muli %scan3A_243, %mul3A_393 : i32
        %add3A_395 = arith.constant 15 : i32
        %add3A_396 = arith.addi %mul3A_394, %add3A_395 : i32
        %broadcast_in_dim3A_397 = vector.broadcast %add3A_396 : i32 to vector<16xi32>
        tpu.vector_store_idx %arg7[%broadcast_in_dim3A_397, %iota3A], %gather3A_392 : memref<320x16xf32, #tpu.memory_space<vmem>>[vector<16xi32>, vector<16xi32>], vector<16xf32>,
      }
      %scan3A_60 = arith.constant 20 : i32
      %mul3A_61 = arith.constant 320 : i32
      %mul3A_62 = arith.muli %mul3A_52, %mul3A_61 : i32
      %add3A_63 = arith.addi %mul3A_2, %mul3A_62 : i32
      %dma_start3A = arith.constant 0 : i32
      %dma_start3A_64 = tpu.memref_slice %arg4[%add3A_63, %dma_start3A] : memref<819200x16xf32, #tpu.memory_space<hbm>> -> memref<320x16xf32, #tpu.memory_space<hbm>>
      %dma_start3A_65 = arith.constant 0 : i32
      %dma_start3A_66 = tpu.memref_slice %arg4[%add3A_63, %dma_start3A_65] : memref<819200x16xf32, #tpu.memory_space<hbm>> -> memref<320x16xf32, #tpu.memory_space<hbm>>
      tpu.enqueue_dma source(%arg7 : memref<320x16xf32, #tpu.memory_space<vmem>>) target(%dma_start3A_66 : memref<320x16xf32, #tpu.memory_space<hbm>>) target_semaphore(%arg9 : memref<!tpu.dma_semaphore, #tpu.memory_space<semaphore_mem>>)
      %mul3A_67 = arith.constant 2 : i32
      %mul3A_68 = arith.muli %mul3A_67, %scan3A_50 : i32
      %add3A_69 = arith.constant 1 : i32
      %add3A_70 = arith.addi %mul3A_68, %add3A_69 : i32
      %ge3A_71 = arith.constant 1 : i32
      %ge3A_72 = arith.cmpi sge, %scan3A_50, %ge3A_71 : i32
      %convert_element_type3A_73 = arith.extui %ge3A_72 : i1 to i32
      %cond3A_74 = arith.constant 0 : i32
      %cond3A_75 = arith.cmpi ne, %convert_element_type3A_73, %cond3A_74 : i32
      scf.if %cond3A_75 {
        %dma_wait3A_89 = arith.constant 0 : i32
        %dma_wait3A_90 = arith.constant 0 : i32
        %dma_wait3A_91 = tpu.memref_slice %arg4[%dma_wait3A_89, %dma_wait3A_90] : memref<819200x16xf32, #tpu.memory_space<hbm>> -> memref<320x16xf32, #tpu.memory_space<hbm>>
        %dma_wait3A_92 = arith.constant 0 : i32
        %dma_wait3A_93 = arith.constant 0 : i32
        %dma_wait3A_94 = tpu.memref_slice %arg4[%dma_wait3A_92, %dma_wait3A_93] : memref<819200x16xf32, #tpu.memory_space<hbm>> -> memref<320x16xf32, #tpu.memory_space<hbm>>
        tpu.wait_dma2 semaphore(%arg10 : memref<!tpu.dma_semaphore, #tpu.memory_space<semaphore_mem>>) src(%arg8 : memref<320x16xf32, #tpu.memory_space<vmem>>) dst(%dma_wait3A_94 : memref<320x16xf32, #tpu.memory_space<hbm>>)
      } else {
      }
      %scan3A_76 = arith.constant 0 : i32
      %scan3A_77 = arith.constant 0 : i32
      %scan3A_78 = arith.constant 20 : i32
      %scan3A_79 = arith.addi %scan3A_77, %scan3A_78 : i32
      %scan3A_80 = arith.constant 2 : i32
      scf.for %scan3A_89 = %scan3A_77 to %scan3A_79 step %scan3A_80  : i32 {
        %mul3A_90 = arith.constant 320 : i32
        %mul3A_91 = arith.muli %add3A_70, %mul3A_90 : i32
        %mul3A_92 = arith.constant 16 : i32
        %mul3A_93 = arith.muli %scan3A_89, %mul3A_92 : i32
        %add3A_94 = arith.addi %mul3A_91, %mul3A_93 : i32
        %get3A = arith.index_cast %add3A_94 : i32 to index
        %get3A_95 = tpu.vector_load %arg6[%get3A] {strides = array<i32>} : memref<25600xi32, #tpu.memory_space<vmem>>, vector<16xi32>,
        %mul3A_96 = arith.constant 16 : i32
        %mul3A_97 = vector.broadcast %mul3A_96 : i32 to vector<16xi32>
        %mul3A_98 = arith.muli %get3A_95, %mul3A_97 : vector<16xi32>
        %gather3A = vector.shape_cast %broadcast_in_dim3A_3 : vector<16x1xi32> to vector<16xi32>
        %gather3A_99 = tpu.dynamic_gather %mul3A_98[%gather3A] in [0] : vector<16xi32>, vector<16xi32> -> vector<16xi32>
        %add3A_100 = arith.addi %gather3A_99, %iota3A : vector<16xi32>
        %gather3A_101 = tpu.vector_load_idx %arg5[%add3A_100] : memref<3280xf32, #tpu.memory_space<vmem>>[vector<16xi32>], vector<16xf32>,
        %mul3A_102 = arith.constant 16 : i32
        %mul3A_103 = arith.muli %scan3A_89, %mul3A_102 : i32
        %add3A_104 = arith.constant 0 : i32
        %add3A_105 = arith.addi %mul3A_103, %add3A_104 : i32
        %broadcast_in_dim3A_106 = vector.broadcast %add3A_105 : i32 to vector<16xi32>
        tpu.vector_store_idx %arg8[%broadcast_in_dim3A_106, %iota3A], %gather3A_101 : memref<320x16xf32, #tpu.memory_space<vmem>>[vector<16xi32>, vector<16xi32>], vector<16xf32>,
        %gather3A_107 = vector.shape_cast %broadcast_in_dim3A_5 : vector<16x1xi32> to vector<16xi32>
        %gather3A_108 = tpu.dynamic_gather %mul3A_98[%gather3A_107] in [0] : vector<16xi32>, vector<16xi32> -> vector<16xi32>
        %add3A_109 = arith.addi %gather3A_108, %iota3A : vector<16xi32>
        %gather3A_110 = tpu.vector_load_idx %arg5[%add3A_109] : memref<3280xf32, #tpu.memory_space<vmem>>[vector<16xi32>], vector<16xf32>,
        %mul3A_111 = arith.constant 16 : i32
        %mul3A_112 = arith.muli %scan3A_89, %mul3A_111 : i32
        %add3A_113 = arith.constant 1 : i32
        %add3A_114 = arith.addi %mul3A_112, %add3A_113 : i32
        %broadcast_in_dim3A_115 = vector.broadcast %add3A_114 : i32 to vector<16xi32>
        tpu.vector_store_idx %arg8[%broadcast_in_dim3A_115, %iota3A], %gather3A_110 : memref<320x16xf32, #tpu.memory_space<vmem>>[vector<16xi32>, vector<16xi32>], vector<16xf32>,
        %gather3A_116 = vector.shape_cast %broadcast_in_dim3A_7 : vector<16x1xi32> to vector<16xi32>
        %gather3A_117 = tpu.dynamic_gather %mul3A_98[%gather3A_116] in [0] : vector<16xi32>, vector<16xi32> -> vector<16xi32>
        %add3A_118 = arith.addi %gather3A_117, %iota3A : vector<16xi32>
        %gather3A_119 = tpu.vector_load_idx %arg5[%add3A_118] : memref<3280xf32, #tpu.memory_space<vmem>>[vector<16xi32>], vector<16xf32>,
        %mul3A_120 = arith.constant 16 : i32
        %mul3A_121 = arith.muli %scan3A_89, %mul3A_120 : i32
        %add3A_122 = arith.constant 2 : i32
        %add3A_123 = arith.addi %mul3A_121, %add3A_122 : i32
        %broadcast_in_dim3A_124 = vector.broadcast %add3A_123 : i32 to vector<16xi32>
        tpu.vector_store_idx %arg8[%broadcast_in_dim3A_124, %iota3A], %gather3A_119 : memref<320x16xf32, #tpu.memory_space<vmem>>[vector<16xi32>, vector<16xi32>], vector<16xf32>,
        %gather3A_125 = vector.shape_cast %broadcast_in_dim3A_9 : vector<16x1xi32> to vector<16xi32>
        %gather3A_126 = tpu.dynamic_gather %mul3A_98[%gather3A_125] in [0] : vector<16xi32>, vector<16xi32> -> vector<16xi32>
        %add3A_127 = arith.addi %gather3A_126, %iota3A : vector<16xi32>
        %gather3A_128 = tpu.vector_load_idx %arg5[%add3A_127] : memref<3280xf32, #tpu.memory_space<vmem>>[vector<16xi32>], vector<16xf32>,
        %mul3A_129 = arith.constant 16 : i32
        %mul3A_130 = arith.muli %scan3A_89, %mul3A_129 : i32
        %add3A_131 = arith.constant 3 : i32
        %add3A_132 = arith.addi %mul3A_130, %add3A_131 : i32
        %broadcast_in_dim3A_133 = vector.broadcast %add3A_132 : i32 to vector<16xi32>
        tpu.vector_store_idx %arg8[%broadcast_in_dim3A_133, %iota3A], %gather3A_128 : memref<320x16xf32, #tpu.memory_space<vmem>>[vector<16xi32>, vector<16xi32>], vector<16xf32>,
        %gather3A_134 = vector.shape_cast %broadcast_in_dim3A_11 : vector<16x1xi32> to vector<16xi32>
        %gather3A_135 = tpu.dynamic_gather %mul3A_98[%gather3A_134] in [0] : vector<16xi32>, vector<16xi32> -> vector<16xi32>
        %add3A_136 = arith.addi %gather3A_135, %iota3A : vector<16xi32>
        %gather3A_137 = tpu.vector_load_idx %arg5[%add3A_136] : memref<3280xf32, #tpu.memory_space<vmem>>[vector<16xi32>], vector<16xf32>,
        %mul3A_138 = arith.constant 16 : i32
        %mul3A_139 = arith.muli %scan3A_89, %mul3A_138 : i32
        %add3A_140 = arith.constant 4 : i32
        %add3A_141 = arith.addi %mul3A_139, %add3A_140 : i32
        %broadcast_in_dim3A_142 = vector.broadcast %add3A_141 : i32 to vector<16xi32>
        tpu.vector_store_idx %arg8[%broadcast_in_dim3A_142, %iota3A], %gather3A_137 : memref<320x16xf32, #tpu.memory_space<vmem>>[vector<16xi32>, vector<16xi32>], vector<16xf32>,
        %gather3A_143 = vector.shape_cast %broadcast_in_dim3A_13 : vector<16x1xi32> to vector<16xi32>
        %gather3A_144 = tpu.dynamic_gather %mul3A_98[%gather3A_143] in [0] : vector<16xi32>, vector<16xi32> -> vector<16xi32>
        %add3A_145 = arith.addi %gather3A_144, %iota3A : vector<16xi32>
        %gather3A_146 = tpu.vector_load_idx %arg5[%add3A_145] : memref<3280xf32, #tpu.memory_space<vmem>>[vector<16xi32>], vector<16xf32>,
        %mul3A_147 = arith.constant 16 : i32
        %mul3A_148 = arith.muli %scan3A_89, %mul3A_147 : i32
        %add3A_149 = arith.constant 5 : i32
        %add3A_150 = arith.addi %mul3A_148, %add3A_149 : i32
        %broadcast_in_dim3A_151 = vector.broadcast %add3A_150 : i32 to vector<16xi32>
        tpu.vector_store_idx %arg8[%broadcast_in_dim3A_151, %iota3A], %gather3A_146 : memref<320x16xf32, #tpu.memory_space<vmem>>[vector<16xi32>, vector<16xi32>], vector<16xf32>,
        %gather3A_152 = vector.shape_cast %broadcast_in_dim3A_15 : vector<16x1xi32> to vector<16xi32>
        %gather3A_153 = tpu.dynamic_gather %mul3A_98[%gather3A_152] in [0] : vector<16xi32>, vector<16xi32> -> vector<16xi32>
        %add3A_154 = arith.addi %gather3A_153, %iota3A : vector<16xi32>
        %gather3A_155 = tpu.vector_load_idx %arg5[%add3A_154] : memref<3280xf32, #tpu.memory_space<vmem>>[vector<16xi32>], vector<16xf32>,
        %mul3A_156 = arith.constant 16 : i32
        %mul3A_157 = arith.muli %scan3A_89, %mul3A_156 : i32
        %add3A_158 = arith.constant 6 : i32
        %add3A_159 = arith.addi %mul3A_157, %add3A_158 : i32
        %broadcast_in_dim3A_160 = vector.broadcast %add3A_159 : i32 to vector<16xi32>
        tpu.vector_store_idx %arg8[%broadcast_in_dim3A_160, %iota3A], %gather3A_155 : memref<320x16xf32, #tpu.memory_space<vmem>>[vector<16xi32>, vector<16xi32>], vector<16xf32>,
        %gather3A_161 = vector.shape_cast %broadcast_in_dim3A_17 : vector<16x1xi32> to vector<16xi32>
        %gather3A_162 = tpu.dynamic_gather %mul3A_98[%gather3A_161] in [0] : vector<16xi32>, vector<16xi32> -> vector<16xi32>
        %add3A_163 = arith.addi %gather3A_162, %iota3A : vector<16xi32>
        %gather3A_164 = tpu.vector_load_idx %arg5[%add3A_163] : memref<3280xf32, #tpu.memory_space<vmem>>[vector<16xi32>], vector<16xf32>,
        %mul3A_165 = arith.constant 16 : i32
        %mul3A_166 = arith.muli %scan3A_89, %mul3A_165 : i32
        %add3A_167 = arith.constant 7 : i32
        %add3A_168 = arith.addi %mul3A_166, %add3A_167 : i32
        %broadcast_in_dim3A_169 = vector.broadcast %add3A_168 : i32 to vector<16xi32>
        tpu.vector_store_idx %arg8[%broadcast_in_dim3A_169, %iota3A], %gather3A_164 : memref<320x16xf32, #tpu.memory_space<vmem>>[vector<16xi32>, vector<16xi32>], vector<16xf32>,
        %gather3A_170 = vector.shape_cast %broadcast_in_dim3A_19 : vector<16x1xi32> to vector<16xi32>
        %gather3A_171 = tpu.dynamic_gather %mul3A_98[%gather3A_170] in [0] : vector<16xi32>, vector<16xi32> -> vector<16xi32>
        %add3A_172 = arith.addi %gather3A_171, %iota3A : vector<16xi32>
        %gather3A_173 = tpu.vector_load_idx %arg5[%add3A_172] : memref<3280xf32, #tpu.memory_space<vmem>>[vector<16xi32>], vector<16xf32>,
        %mul3A_174 = arith.constant 16 : i32
        %mul3A_175 = arith.muli %scan3A_89, %mul3A_174 : i32
        %add3A_176 = arith.constant 8 : i32
        %add3A_177 = arith.addi %mul3A_175, %add3A_176 : i32
        %broadcast_in_dim3A_178 = vector.broadcast %add3A_177 : i32 to vector<16xi32>
        tpu.vector_store_idx %arg8[%broadcast_in_dim3A_178, %iota3A], %gather3A_173 : memref<320x16xf32, #tpu.memory_space<vmem>>[vector<16xi32>, vector<16xi32>], vector<16xf32>,
        %gather3A_179 = vector.shape_cast %broadcast_in_dim3A_21 : vector<16x1xi32> to vector<16xi32>
        %gather3A_180 = tpu.dynamic_gather %mul3A_98[%gather3A_179] in [0] : vector<16xi32>, vector<16xi32> -> vector<16xi32>
        %add3A_181 = arith.addi %gather3A_180, %iota3A : vector<16xi32>
        %gather3A_182 = tpu.vector_load_idx %arg5[%add3A_181] : memref<3280xf32, #tpu.memory_space<vmem>>[vector<16xi32>], vector<16xf32>,
        %mul3A_183 = arith.constant 16 : i32
        %mul3A_184 = arith.muli %scan3A_89, %mul3A_183 : i32
        %add3A_185 = arith.constant 9 : i32
        %add3A_186 = arith.addi %mul3A_184, %add3A_185 : i32
        %broadcast_in_dim3A_187 = vector.broadcast %add3A_186 : i32 to vector<16xi32>
        tpu.vector_store_idx %arg8[%broadcast_in_dim3A_187, %iota3A], %gather3A_182 : memref<320x16xf32, #tpu.memory_space<vmem>>[vector<16xi32>, vector<16xi32>], vector<16xf32>,
        %gather3A_188 = vector.shape_cast %broadcast_in_dim3A_23 : vector<16x1xi32> to vector<16xi32>
        %gather3A_189 = tpu.dynamic_gather %mul3A_98[%gather3A_188] in [0] : vector<16xi32>, vector<16xi32> -> vector<16xi32>
        %add3A_190 = arith.addi %gather3A_189, %iota3A : vector<16xi32>
        %gather3A_191 = tpu.vector_load_idx %arg5[%add3A_190] : memref<3280xf32, #tpu.memory_space<vmem>>[vector<16xi32>], vector<16xf32>,
        %mul3A_192 = arith.constant 16 : i32
        %mul3A_193 = arith.muli %scan3A_89, %mul3A_192 : i32
        %add3A_194 = arith.constant 10 : i32
        %add3A_195 = arith.addi %mul3A_193, %add3A_194 : i32
        %broadcast_in_dim3A_196 = vector.broadcast %add3A_195 : i32 to vector<16xi32>
        tpu.vector_store_idx %arg8[%broadcast_in_dim3A_196, %iota3A], %gather3A_191 : memref<320x16xf32, #tpu.memory_space<vmem>>[vector<16xi32>, vector<16xi32>], vector<16xf32>,
        %gather3A_197 = vector.shape_cast %broadcast_in_dim3A_25 : vector<16x1xi32> to vector<16xi32>
        %gather3A_198 = tpu.dynamic_gather %mul3A_98[%gather3A_197] in [0] : vector<16xi32>, vector<16xi32> -> vector<16xi32>
        %add3A_199 = arith.addi %gather3A_198, %iota3A : vector<16xi32>
        %gather3A_200 = tpu.vector_load_idx %arg5[%add3A_199] : memref<3280xf32, #tpu.memory_space<vmem>>[vector<16xi32>], vector<16xf32>,
        %mul3A_201 = arith.constant 16 : i32
        %mul3A_202 = arith.muli %scan3A_89, %mul3A_201 : i32
        %add3A_203 = arith.constant 11 : i32
        %add3A_204 = arith.addi %mul3A_202, %add3A_203 : i32
        %broadcast_in_dim3A_205 = vector.broadcast %add3A_204 : i32 to vector<16xi32>
        tpu.vector_store_idx %arg8[%broadcast_in_dim3A_205, %iota3A], %gather3A_200 : memref<320x16xf32, #tpu.memory_space<vmem>>[vector<16xi32>, vector<16xi32>], vector<16xf32>,
        %gather3A_206 = vector.shape_cast %broadcast_in_dim3A_27 : vector<16x1xi32> to vector<16xi32>
        %gather3A_207 = tpu.dynamic_gather %mul3A_98[%gather3A_206] in [0] : vector<16xi32>, vector<16xi32> -> vector<16xi32>
        %add3A_208 = arith.addi %gather3A_207, %iota3A : vector<16xi32>
        %gather3A_209 = tpu.vector_load_idx %arg5[%add3A_208] : memref<3280xf32, #tpu.memory_space<vmem>>[vector<16xi32>], vector<16xf32>,
        %mul3A_210 = arith.constant 16 : i32
        %mul3A_211 = arith.muli %scan3A_89, %mul3A_210 : i32
        %add3A_212 = arith.constant 12 : i32
        %add3A_213 = arith.addi %mul3A_211, %add3A_212 : i32
        %broadcast_in_dim3A_214 = vector.broadcast %add3A_213 : i32 to vector<16xi32>
        tpu.vector_store_idx %arg8[%broadcast_in_dim3A_214, %iota3A], %gather3A_209 : memref<320x16xf32, #tpu.memory_space<vmem>>[vector<16xi32>, vector<16xi32>], vector<16xf32>,
        %gather3A_215 = vector.shape_cast %broadcast_in_dim3A_29 : vector<16x1xi32> to vector<16xi32>
        %gather3A_216 = tpu.dynamic_gather %mul3A_98[%gather3A_215] in [0] : vector<16xi32>, vector<16xi32> -> vector<16xi32>
        %add3A_217 = arith.addi %gather3A_216, %iota3A : vector<16xi32>
        %gather3A_218 = tpu.vector_load_idx %arg5[%add3A_217] : memref<3280xf32, #tpu.memory_space<vmem>>[vector<16xi32>], vector<16xf32>,
        %mul3A_219 = arith.constant 16 : i32
        %mul3A_220 = arith.muli %scan3A_89, %mul3A_219 : i32
        %add3A_221 = arith.constant 13 : i32
        %add3A_222 = arith.addi %mul3A_220, %add3A_221 : i32
        %broadcast_in_dim3A_223 = vector.broadcast %add3A_222 : i32 to vector<16xi32>
        tpu.vector_store_idx %arg8[%broadcast_in_dim3A_223, %iota3A], %gather3A_218 : memref<320x16xf32, #tpu.memory_space<vmem>>[vector<16xi32>, vector<16xi32>], vector<16xf32>,
        %gather3A_224 = vector.shape_cast %broadcast_in_dim3A_31 : vector<16x1xi32> to vector<16xi32>
        %gather3A_225 = tpu.dynamic_gather %mul3A_98[%gather3A_224] in [0] : vector<16xi32>, vector<16xi32> -> vector<16xi32>
        %add3A_226 = arith.addi %gather3A_225, %iota3A : vector<16xi32>
        %gather3A_227 = tpu.vector_load_idx %arg5[%add3A_226] : memref<3280xf32, #tpu.memory_space<vmem>>[vector<16xi32>], vector<16xf32>,
        %mul3A_228 = arith.constant 16 : i32
        %mul3A_229 = arith.muli %scan3A_89, %mul3A_228 : i32
        %add3A_230 = arith.constant 14 : i32
        %add3A_231 = arith.addi %mul3A_229, %add3A_230 : i32
        %broadcast_in_dim3A_232 = vector.broadcast %add3A_231 : i32 to vector<16xi32>
        tpu.vector_store_idx %arg8[%broadcast_in_dim3A_232, %iota3A], %gather3A_227 : memref<320x16xf32, #tpu.memory_space<vmem>>[vector<16xi32>, vector<16xi32>], vector<16xf32>,
        %gather3A_233 = vector.shape_cast %broadcast_in_dim3A_33 : vector<16x1xi32> to vector<16xi32>
        %gather3A_234 = tpu.dynamic_gather %mul3A_98[%gather3A_233] in [0] : vector<16xi32>, vector<16xi32> -> vector<16xi32>
        %add3A_235 = arith.addi %gather3A_234, %iota3A : vector<16xi32>
        %gather3A_236 = tpu.vector_load_idx %arg5[%add3A_235] : memref<3280xf32, #tpu.memory_space<vmem>>[vector<16xi32>], vector<16xf32>,
        %mul3A_237 = arith.constant 16 : i32
        %mul3A_238 = arith.muli %scan3A_89, %mul3A_237 : i32
        %add3A_239 = arith.constant 15 : i32
        %add3A_240 = arith.addi %mul3A_238, %add3A_239 : i32
        %broadcast_in_dim3A_241 = vector.broadcast %add3A_240 : i32 to vector<16xi32>
        tpu.vector_store_idx %arg8[%broadcast_in_dim3A_241, %iota3A], %gather3A_236 : memref<320x16xf32, #tpu.memory_space<vmem>>[vector<16xi32>, vector<16xi32>], vector<16xf32>,
        %scan3A_242 = arith.constant 1 : i32
        %scan3A_243 = arith.addi %scan3A_89, %scan3A_242 : i32
        %mul3A_244 = arith.constant 320 : i32
        %mul3A_245 = arith.muli %add3A_70, %mul3A_244 : i32
        %mul3A_246 = arith.constant 16 : i32
        %mul3A_247 = arith.muli %scan3A_243, %mul3A_246 : i32
        %add3A_248 = arith.addi %mul3A_245, %mul3A_247 : i32
        %get3A_249 = arith.index_cast %add3A_248 : i32 to index
        %get3A_250 = tpu.vector_load %arg6[%get3A_249] {strides = array<i32>} : memref<25600xi32, #tpu.memory_space<vmem>>, vector<16xi32>,
        %mul3A_251 = arith.constant 16 : i32
        %mul3A_252 = vector.broadcast %mul3A_251 : i32 to vector<16xi32>
        %mul3A_253 = arith.muli %get3A_250, %mul3A_252 : vector<16xi32>
        %gather3A_254 = vector.shape_cast %broadcast_in_dim3A_3 : vector<16x1xi32> to vector<16xi32>
        %gather3A_255 = tpu.dynamic_gather %mul3A_253[%gather3A_254] in [0] : vector<16xi32>, vector<16xi32> -> vector<16xi32>
        %add3A_256 = arith.addi %gather3A_255, %iota3A : vector<16xi32>
        %gather3A_257 = tpu.vector_load_idx %arg5[%add3A_256] : memref<3280xf32, #tpu.memory_space<vmem>>[vector<16xi32>], vector<16xf32>,
        %mul3A_258 = arith.constant 16 : i32
        %mul3A_259 = arith.muli %scan3A_243, %mul3A_258 : i32
        %add3A_260 = arith.constant 0 : i32
        %add3A_261 = arith.addi %mul3A_259, %add3A_260 : i32
        %broadcast_in_dim3A_262 = vector.broadcast %add3A_261 : i32 to vector<16xi32>
        tpu.vector_store_idx %arg8[%broadcast_in_dim3A_262, %iota3A], %gather3A_257 : memref<320x16xf32, #tpu.memory_space<vmem>>[vector<16xi32>, vector<16xi32>], vector<16xf32>,
        %gather3A_263 = vector.shape_cast %broadcast_in_dim3A_5 : vector<16x1xi32> to vector<16xi32>
        %gather3A_264 = tpu.dynamic_gather %mul3A_253[%gather3A_263] in [0] : vector<16xi32>, vector<16xi32> -> vector<16xi32>
        %add3A_265 = arith.addi %gather3A_264, %iota3A : vector<16xi32>
        %gather3A_266 = tpu.vector_load_idx %arg5[%add3A_265] : memref<3280xf32, #tpu.memory_space<vmem>>[vector<16xi32>], vector<16xf32>,
        %mul3A_267 = arith.constant 16 : i32
        %mul3A_268 = arith.muli %scan3A_243, %mul3A_267 : i32
        %add3A_269 = arith.constant 1 : i32
        %add3A_270 = arith.addi %mul3A_268, %add3A_269 : i32
        %broadcast_in_dim3A_271 = vector.broadcast %add3A_270 : i32 to vector<16xi32>
        tpu.vector_store_idx %arg8[%broadcast_in_dim3A_271, %iota3A], %gather3A_266 : memref<320x16xf32, #tpu.memory_space<vmem>>[vector<16xi32>, vector<16xi32>], vector<16xf32>,
        %gather3A_272 = vector.shape_cast %broadcast_in_dim3A_7 : vector<16x1xi32> to vector<16xi32>
        %gather3A_273 = tpu.dynamic_gather %mul3A_253[%gather3A_272] in [0] : vector<16xi32>, vector<16xi32> -> vector<16xi32>
        %add3A_274 = arith.addi %gather3A_273, %iota3A : vector<16xi32>
        %gather3A_275 = tpu.vector_load_idx %arg5[%add3A_274] : memref<3280xf32, #tpu.memory_space<vmem>>[vector<16xi32>], vector<16xf32>,
        %mul3A_276 = arith.constant 16 : i32
        %mul3A_277 = arith.muli %scan3A_243, %mul3A_276 : i32
        %add3A_278 = arith.constant 2 : i32
        %add3A_279 = arith.addi %mul3A_277, %add3A_278 : i32
        %broadcast_in_dim3A_280 = vector.broadcast %add3A_279 : i32 to vector<16xi32>
        tpu.vector_store_idx %arg8[%broadcast_in_dim3A_280, %iota3A], %gather3A_275 : memref<320x16xf32, #tpu.memory_space<vmem>>[vector<16xi32>, vector<16xi32>], vector<16xf32>,
        %gather3A_281 = vector.shape_cast %broadcast_in_dim3A_9 : vector<16x1xi32> to vector<16xi32>
        %gather3A_282 = tpu.dynamic_gather %mul3A_253[%gather3A_281] in [0] : vector<16xi32>, vector<16xi32> -> vector<16xi32>
        %add3A_283 = arith.addi %gather3A_282, %iota3A : vector<16xi32>
        %gather3A_284 = tpu.vector_load_idx %arg5[%add3A_283] : memref<3280xf32, #tpu.memory_space<vmem>>[vector<16xi32>], vector<16xf32>,
        %mul3A_285 = arith.constant 16 : i32
        %mul3A_286 = arith.muli %scan3A_243, %mul3A_285 : i32
        %add3A_287 = arith.constant 3 : i32
        %add3A_288 = arith.addi %mul3A_286, %add3A_287 : i32
        %broadcast_in_dim3A_289 = vector.broadcast %add3A_288 : i32 to vector<16xi32>
        tpu.vector_store_idx %arg8[%broadcast_in_dim3A_289, %iota3A], %gather3A_284 : memref<320x16xf32, #tpu.memory_space<vmem>>[vector<16xi32>, vector<16xi32>], vector<16xf32>,
        %gather3A_290 = vector.shape_cast %broadcast_in_dim3A_11 : vector<16x1xi32> to vector<16xi32>
        %gather3A_291 = tpu.dynamic_gather %mul3A_253[%gather3A_290] in [0] : vector<16xi32>, vector<16xi32> -> vector<16xi32>
        %add3A_292 = arith.addi %gather3A_291, %iota3A : vector<16xi32>
        %gather3A_293 = tpu.vector_load_idx %arg5[%add3A_292] : memref<3280xf32, #tpu.memory_space<vmem>>[vector<16xi32>], vector<16xf32>,
        %mul3A_294 = arith.constant 16 : i32
        %mul3A_295 = arith.muli %scan3A_243, %mul3A_294 : i32
        %add3A_296 = arith.constant 4 : i32
        %add3A_297 = arith.addi %mul3A_295, %add3A_296 : i32
        %broadcast_in_dim3A_298 = vector.broadcast %add3A_297 : i32 to vector<16xi32>
        tpu.vector_store_idx %arg8[%broadcast_in_dim3A_298, %iota3A], %gather3A_293 : memref<320x16xf32, #tpu.memory_space<vmem>>[vector<16xi32>, vector<16xi32>], vector<16xf32>,
        %gather3A_299 = vector.shape_cast %broadcast_in_dim3A_13 : vector<16x1xi32> to vector<16xi32>
        %gather3A_300 = tpu.dynamic_gather %mul3A_253[%gather3A_299] in [0] : vector<16xi32>, vector<16xi32> -> vector<16xi32>
        %add3A_301 = arith.addi %gather3A_300, %iota3A : vector<16xi32>
        %gather3A_302 = tpu.vector_load_idx %arg5[%add3A_301] : memref<3280xf32, #tpu.memory_space<vmem>>[vector<16xi32>], vector<16xf32>,
        %mul3A_303 = arith.constant 16 : i32
        %mul3A_304 = arith.muli %scan3A_243, %mul3A_303 : i32
        %add3A_305 = arith.constant 5 : i32
        %add3A_306 = arith.addi %mul3A_304, %add3A_305 : i32
        %broadcast_in_dim3A_307 = vector.broadcast %add3A_306 : i32 to vector<16xi32>
        tpu.vector_store_idx %arg8[%broadcast_in_dim3A_307, %iota3A], %gather3A_302 : memref<320x16xf32, #tpu.memory_space<vmem>>[vector<16xi32>, vector<16xi32>], vector<16xf32>,
        %gather3A_308 = vector.shape_cast %broadcast_in_dim3A_15 : vector<16x1xi32> to vector<16xi32>
        %gather3A_309 = tpu.dynamic_gather %mul3A_253[%gather3A_308] in [0] : vector<16xi32>, vector<16xi32> -> vector<16xi32>
        %add3A_310 = arith.addi %gather3A_309, %iota3A : vector<16xi32>
        %gather3A_311 = tpu.vector_load_idx %arg5[%add3A_310] : memref<3280xf32, #tpu.memory_space<vmem>>[vector<16xi32>], vector<16xf32>,
        %mul3A_312 = arith.constant 16 : i32
        %mul3A_313 = arith.muli %scan3A_243, %mul3A_312 : i32
        %add3A_314 = arith.constant 6 : i32
        %add3A_315 = arith.addi %mul3A_313, %add3A_314 : i32
        %broadcast_in_dim3A_316 = vector.broadcast %add3A_315 : i32 to vector<16xi32>
        tpu.vector_store_idx %arg8[%broadcast_in_dim3A_316, %iota3A], %gather3A_311 : memref<320x16xf32, #tpu.memory_space<vmem>>[vector<16xi32>, vector<16xi32>], vector<16xf32>,
        %gather3A_317 = vector.shape_cast %broadcast_in_dim3A_17 : vector<16x1xi32> to vector<16xi32>
        %gather3A_318 = tpu.dynamic_gather %mul3A_253[%gather3A_317] in [0] : vector<16xi32>, vector<16xi32> -> vector<16xi32>
        %add3A_319 = arith.addi %gather3A_318, %iota3A : vector<16xi32>
        %gather3A_320 = tpu.vector_load_idx %arg5[%add3A_319] : memref<3280xf32, #tpu.memory_space<vmem>>[vector<16xi32>], vector<16xf32>,
        %mul3A_321 = arith.constant 16 : i32
        %mul3A_322 = arith.muli %scan3A_243, %mul3A_321 : i32
        %add3A_323 = arith.constant 7 : i32
        %add3A_324 = arith.addi %mul3A_322, %add3A_323 : i32
        %broadcast_in_dim3A_325 = vector.broadcast %add3A_324 : i32 to vector<16xi32>
        tpu.vector_store_idx %arg8[%broadcast_in_dim3A_325, %iota3A], %gather3A_320 : memref<320x16xf32, #tpu.memory_space<vmem>>[vector<16xi32>, vector<16xi32>], vector<16xf32>,
        %gather3A_326 = vector.shape_cast %broadcast_in_dim3A_19 : vector<16x1xi32> to vector<16xi32>
        %gather3A_327 = tpu.dynamic_gather %mul3A_253[%gather3A_326] in [0] : vector<16xi32>, vector<16xi32> -> vector<16xi32>
        %add3A_328 = arith.addi %gather3A_327, %iota3A : vector<16xi32>
        %gather3A_329 = tpu.vector_load_idx %arg5[%add3A_328] : memref<3280xf32, #tpu.memory_space<vmem>>[vector<16xi32>], vector<16xf32>,
        %mul3A_330 = arith.constant 16 : i32
        %mul3A_331 = arith.muli %scan3A_243, %mul3A_330 : i32
        %add3A_332 = arith.constant 8 : i32
        %add3A_333 = arith.addi %mul3A_331, %add3A_332 : i32
        %broadcast_in_dim3A_334 = vector.broadcast %add3A_333 : i32 to vector<16xi32>
        tpu.vector_store_idx %arg8[%broadcast_in_dim3A_334, %iota3A], %gather3A_329 : memref<320x16xf32, #tpu.memory_space<vmem>>[vector<16xi32>, vector<16xi32>], vector<16xf32>,
        %gather3A_335 = vector.shape_cast %broadcast_in_dim3A_21 : vector<16x1xi32> to vector<16xi32>
        %gather3A_336 = tpu.dynamic_gather %mul3A_253[%gather3A_335] in [0] : vector<16xi32>, vector<16xi32> -> vector<16xi32>
        %add3A_337 = arith.addi %gather3A_336, %iota3A : vector<16xi32>
        %gather3A_338 = tpu.vector_load_idx %arg5[%add3A_337] : memref<3280xf32, #tpu.memory_space<vmem>>[vector<16xi32>], vector<16xf32>,
        %mul3A_339 = arith.constant 16 : i32
        %mul3A_340 = arith.muli %scan3A_243, %mul3A_339 : i32
        %add3A_341 = arith.constant 9 : i32
        %add3A_342 = arith.addi %mul3A_340, %add3A_341 : i32
        %broadcast_in_dim3A_343 = vector.broadcast %add3A_342 : i32 to vector<16xi32>
        tpu.vector_store_idx %arg8[%broadcast_in_dim3A_343, %iota3A], %gather3A_338 : memref<320x16xf32, #tpu.memory_space<vmem>>[vector<16xi32>, vector<16xi32>], vector<16xf32>,
        %gather3A_344 = vector.shape_cast %broadcast_in_dim3A_23 : vector<16x1xi32> to vector<16xi32>
        %gather3A_345 = tpu.dynamic_gather %mul3A_253[%gather3A_344] in [0] : vector<16xi32>, vector<16xi32> -> vector<16xi32>
        %add3A_346 = arith.addi %gather3A_345, %iota3A : vector<16xi32>
        %gather3A_347 = tpu.vector_load_idx %arg5[%add3A_346] : memref<3280xf32, #tpu.memory_space<vmem>>[vector<16xi32>], vector<16xf32>,
        %mul3A_348 = arith.constant 16 : i32
        %mul3A_349 = arith.muli %scan3A_243, %mul3A_348 : i32
        %add3A_350 = arith.constant 10 : i32
        %add3A_351 = arith.addi %mul3A_349, %add3A_350 : i32
        %broadcast_in_dim3A_352 = vector.broadcast %add3A_351 : i32 to vector<16xi32>
        tpu.vector_store_idx %arg8[%broadcast_in_dim3A_352, %iota3A], %gather3A_347 : memref<320x16xf32, #tpu.memory_space<vmem>>[vector<16xi32>, vector<16xi32>], vector<16xf32>,
        %gather3A_353 = vector.shape_cast %broadcast_in_dim3A_25 : vector<16x1xi32> to vector<16xi32>
        %gather3A_354 = tpu.dynamic_gather %mul3A_253[%gather3A_353] in [0] : vector<16xi32>, vector<16xi32> -> vector<16xi32>
        %add3A_355 = arith.addi %gather3A_354, %iota3A : vector<16xi32>
        %gather3A_356 = tpu.vector_load_idx %arg5[%add3A_355] : memref<3280xf32, #tpu.memory_space<vmem>>[vector<16xi32>], vector<16xf32>,
        %mul3A_357 = arith.constant 16 : i32
        %mul3A_358 = arith.muli %scan3A_243, %mul3A_357 : i32
        %add3A_359 = arith.constant 11 : i32
        %add3A_360 = arith.addi %mul3A_358, %add3A_359 : i32
        %broadcast_in_dim3A_361 = vector.broadcast %add3A_360 : i32 to vector<16xi32>
        tpu.vector_store_idx %arg8[%broadcast_in_dim3A_361, %iota3A], %gather3A_356 : memref<320x16xf32, #tpu.memory_space<vmem>>[vector<16xi32>, vector<16xi32>], vector<16xf32>,
        %gather3A_362 = vector.shape_cast %broadcast_in_dim3A_27 : vector<16x1xi32> to vector<16xi32>
        %gather3A_363 = tpu.dynamic_gather %mul3A_253[%gather3A_362] in [0] : vector<16xi32>, vector<16xi32> -> vector<16xi32>
        %add3A_364 = arith.addi %gather3A_363, %iota3A : vector<16xi32>
        %gather3A_365 = tpu.vector_load_idx %arg5[%add3A_364] : memref<3280xf32, #tpu.memory_space<vmem>>[vector<16xi32>], vector<16xf32>,
        %mul3A_366 = arith.constant 16 : i32
        %mul3A_367 = arith.muli %scan3A_243, %mul3A_366 : i32
        %add3A_368 = arith.constant 12 : i32
        %add3A_369 = arith.addi %mul3A_367, %add3A_368 : i32
        %broadcast_in_dim3A_370 = vector.broadcast %add3A_369 : i32 to vector<16xi32>
        tpu.vector_store_idx %arg8[%broadcast_in_dim3A_370, %iota3A], %gather3A_365 : memref<320x16xf32, #tpu.memory_space<vmem>>[vector<16xi32>, vector<16xi32>], vector<16xf32>,
        %gather3A_371 = vector.shape_cast %broadcast_in_dim3A_29 : vector<16x1xi32> to vector<16xi32>
        %gather3A_372 = tpu.dynamic_gather %mul3A_253[%gather3A_371] in [0] : vector<16xi32>, vector<16xi32> -> vector<16xi32>
        %add3A_373 = arith.addi %gather3A_372, %iota3A : vector<16xi32>
        %gather3A_374 = tpu.vector_load_idx %arg5[%add3A_373] : memref<3280xf32, #tpu.memory_space<vmem>>[vector<16xi32>], vector<16xf32>,
        %mul3A_375 = arith.constant 16 : i32
        %mul3A_376 = arith.muli %scan3A_243, %mul3A_375 : i32
        %add3A_377 = arith.constant 13 : i32
        %add3A_378 = arith.addi %mul3A_376, %add3A_377 : i32
        %broadcast_in_dim3A_379 = vector.broadcast %add3A_378 : i32 to vector<16xi32>
        tpu.vector_store_idx %arg8[%broadcast_in_dim3A_379, %iota3A], %gather3A_374 : memref<320x16xf32, #tpu.memory_space<vmem>>[vector<16xi32>, vector<16xi32>], vector<16xf32>,
        %gather3A_380 = vector.shape_cast %broadcast_in_dim3A_31 : vector<16x1xi32> to vector<16xi32>
        %gather3A_381 = tpu.dynamic_gather %mul3A_253[%gather3A_380] in [0] : vector<16xi32>, vector<16xi32> -> vector<16xi32>
        %add3A_382 = arith.addi %gather3A_381, %iota3A : vector<16xi32>
        %gather3A_383 = tpu.vector_load_idx %arg5[%add3A_382] : memref<3280xf32, #tpu.memory_space<vmem>>[vector<16xi32>], vector<16xf32>,
        %mul3A_384 = arith.constant 16 : i32
        %mul3A_385 = arith.muli %scan3A_243, %mul3A_384 : i32
        %add3A_386 = arith.constant 14 : i32
        %add3A_387 = arith.addi %mul3A_385, %add3A_386 : i32
        %broadcast_in_dim3A_388 = vector.broadcast %add3A_387 : i32 to vector<16xi32>
        tpu.vector_store_idx %arg8[%broadcast_in_dim3A_388, %iota3A], %gather3A_383 : memref<320x16xf32, #tpu.memory_space<vmem>>[vector<16xi32>, vector<16xi32>], vector<16xf32>,
        %gather3A_389 = vector.shape_cast %broadcast_in_dim3A_33 : vector<16x1xi32> to vector<16xi32>
        %gather3A_390 = tpu.dynamic_gather %mul3A_253[%gather3A_389] in [0] : vector<16xi32>, vector<16xi32> -> vector<16xi32>
        %add3A_391 = arith.addi %gather3A_390, %iota3A : vector<16xi32>
        %gather3A_392 = tpu.vector_load_idx %arg5[%add3A_391] : memref<3280xf32, #tpu.memory_space<vmem>>[vector<16xi32>], vector<16xf32>,
        %mul3A_393 = arith.constant 16 : i32
        %mul3A_394 = arith.muli %scan3A_243, %mul3A_393 : i32
        %add3A_395 = arith.constant 15 : i32
        %add3A_396 = arith.addi %mul3A_394, %add3A_395 : i32
        %broadcast_in_dim3A_397 = vector.broadcast %add3A_396 : i32 to vector<16xi32>
        tpu.vector_store_idx %arg8[%broadcast_in_dim3A_397, %iota3A], %gather3A_392 : memref<320x16xf32, #tpu.memory_space<vmem>>[vector<16xi32>, vector<16xi32>], vector<16xf32>,
      }
      %scan3A_81 = arith.constant 20 : i32
      %mul3A_82 = arith.constant 320 : i32
      %mul3A_83 = arith.muli %add3A_70, %mul3A_82 : i32
      %add3A_84 = arith.addi %mul3A_2, %mul3A_83 : i32
      %dma_start3A_85 = arith.constant 0 : i32
      %dma_start3A_86 = tpu.memref_slice %arg4[%add3A_84, %dma_start3A_85] : memref<819200x16xf32, #tpu.memory_space<hbm>> -> memref<320x16xf32, #tpu.memory_space<hbm>>
      %dma_start3A_87 = arith.constant 0 : i32
      %dma_start3A_88 = tpu.memref_slice %arg4[%add3A_84, %dma_start3A_87] : memref<819200x16xf32, #tpu.memory_space<hbm>> -> memref<320x16xf32, #tpu.memory_space<hbm>>
      tpu.enqueue_dma source(%arg8 : memref<320x16xf32, #tpu.memory_space<vmem>>) target(%dma_start3A_88 : memref<320x16xf32, #tpu.memory_space<hbm>>) target_semaphore(%arg10 : memref<!tpu.dma_semaphore, #tpu.memory_space<semaphore_mem>>)
    }
    %scan3A_38 = arith.constant 40 : i32
    %dma_wait3A = arith.constant 0 : i32
    %dma_wait3A_39 = arith.constant 0 : i32
    %dma_wait3A_40 = tpu.memref_slice %arg4[%dma_wait3A, %dma_wait3A_39] : memref<819200x16xf32, #tpu.memory_space<hbm>> -> memref<320x16xf32, #tpu.memory_space<hbm>>
    %dma_wait3A_41 = arith.constant 0 : i32
    %dma_wait3A_42 = arith.constant 0 : i32
    %dma_wait3A_43 = tpu.memref_slice %arg4[%dma_wait3A_41, %dma_wait3A_42] : memref<819200x16xf32, #tpu.memory_space<hbm>> -> memref<320x16xf32, #tpu.memory_space<hbm>>
    tpu.wait_dma2 semaphore(%arg9 : memref<!tpu.dma_semaphore, #tpu.memory_space<semaphore_mem>>) src(%arg7 : memref<320x16xf32, #tpu.memory_space<vmem>>) dst(%dma_wait3A_43 : memref<320x16xf32, #tpu.memory_space<hbm>>)
    %dma_wait3A_44 = arith.constant 0 : i32
    %dma_wait3A_45 = arith.constant 0 : i32
    %dma_wait3A_46 = tpu.memref_slice %arg4[%dma_wait3A_44, %dma_wait3A_45] : memref<819200x16xf32, #tpu.memory_space<hbm>> -> memref<320x16xf32, #tpu.memory_space<hbm>>
    %dma_wait3A_47 = arith.constant 0 : i32
    %dma_wait3A_48 = arith.constant 0 : i32
    %dma_wait3A_49 = tpu.memref_slice %arg4[%dma_wait3A_47, %dma_wait3A_48] : memref<819200x16xf32, #tpu.memory_space<hbm>> -> memref<320x16xf32, #tpu.memory_space<hbm>>
    tpu.wait_dma2 semaphore(%arg10 : memref<!tpu.dma_semaphore, #tpu.memory_space<semaphore_mem>>) src(%arg8 : memref<320x16xf32, #tpu.memory_space<vmem>>) dst(%dma_wait3A_49 : memref<320x16xf32, #tpu.memory_space<hbm>>)
    return
  }
}

module attributes {stable_mosaic.version = 14 : i64} {
  func.func @_mlp_table_body(%arg0: memref<205x32xf32, #tpu.memory_space<vmem>>, %arg1: memref<32x16xf32, #tpu.memory_space<vmem>>, %arg2: memref<1x16xf32, #tpu.memory_space<vmem>>, %arg3: memref<1x1xf32, #tpu.memory_space<smem>>, %arg4: memref<16x16xf32, #tpu.memory_space<vmem>>, %arg5: memref<1x16xf32, #tpu.memory_space<vmem>>, %arg6: memref<205x16xf32, #tpu.memory_space<vmem>>) attributes {dimension_semantics = [], scalar_prefetch = 0 : i64, scratch_operands = 0 : i64, tpu.core_type = #tpu.core_type<tc>} {
    %get3A = arith.constant 0 : index
    %get3A_0 = arith.constant 0 : index
    %get3A_1 = vector.load %arg0[%get3A, %get3A_0] : memref<205x32xf32, #tpu.memory_space<vmem>>, vector<205x32xf32>
    %get3A_2 = arith.constant 0 : index
    %get3A_3 = arith.constant 0 : index
    %get3A_4 = vector.load %arg1[%get3A_2, %get3A_3] : memref<32x16xf32, #tpu.memory_space<vmem>>, vector<32x16xf32>
    %dot_general3A = arith.constant dense<0.000000e+00> : vector<205x16xf32>
    %dot_general3A_5 = tpu.matmul %get3A_1, %get3A_4, %dot_general3A {dimension_numbers = #tpu.dot_dimension_numbers<[1], [0], [0], [1], [0, 0, 1, 1], [], []>, transpose_lhs_hint = false} : vector<205x32xf32>, vector<32x16xf32>, vector<205x16xf32> -> vector<205x16xf32>
    %get3A_6 = arith.constant 0 : index
    %get3A_7 = arith.constant 0 : index
    %get3A_8 = vector.load %arg2[%get3A_6, %get3A_7] : memref<1x16xf32, #tpu.memory_space<vmem>>, vector<1x16xf32>
    %add3A = vector.broadcast %get3A_8 : vector<1x16xf32> to vector<205x16xf32>
    %add3A_9 = arith.addf %dot_general3A_5, %add3A : vector<205x16xf32>
    %get3A_10 = arith.constant 0 : index
    %get3A_11 = arith.constant 0 : index
    %get3A_12 = memref.load %arg3[%get3A_10, %get3A_11] : memref<1x1xf32, #tpu.memory_space<smem>>
    %max3A = arith.constant 0.000000e+00 : f32
    %max3A_13 = vector.broadcast %max3A : f32 to vector<205x16xf32>
    %max3A_14 = arith.maximumf %add3A_9, %max3A_13 : vector<205x16xf32>
    %min3A = arith.constant 0.000000e+00 : f32
    %min3A_15 = vector.broadcast %min3A : f32 to vector<205x16xf32>
    %min3A_16 = arith.minimumf %add3A_9, %min3A_15 : vector<205x16xf32>
    %mul3A = vector.broadcast %get3A_12 : f32 to vector<205x16xf32>
    %mul3A_17 = arith.mulf %mul3A, %min3A_16 : vector<205x16xf32>
    %add3A_18 = arith.addf %max3A_14, %mul3A_17 : vector<205x16xf32>
    %get3A_19 = arith.constant 0 : index
    %get3A_20 = arith.constant 0 : index
    %get3A_21 = vector.load %arg4[%get3A_19, %get3A_20] : memref<16x16xf32, #tpu.memory_space<vmem>>, vector<16x16xf32>
    %dot_general3A_22 = arith.constant dense<0.000000e+00> : vector<205x16xf32>
    %dot_general3A_23 = tpu.matmul %add3A_18, %get3A_21, %dot_general3A_22 {dimension_numbers = #tpu.dot_dimension_numbers<[1], [0], [0], [1], [0, 0, 1, 1], [], []>, transpose_lhs_hint = false} : vector<205x16xf32>, vector<16x16xf32>, vector<205x16xf32> -> vector<205x16xf32>
    %get3A_24 = arith.constant 0 : index
    %get3A_25 = arith.constant 0 : index
    %get3A_26 = vector.load %arg5[%get3A_24, %get3A_25] : memref<1x16xf32, #tpu.memory_space<vmem>>, vector<1x16xf32>
    %add3A_27 = vector.broadcast %get3A_26 : vector<1x16xf32> to vector<205x16xf32>
    %add3A_28 = arith.addf %dot_general3A_23, %add3A_27 : vector<205x16xf32>
    %swap3A = arith.constant 0 : index
    %swap3A_29 = arith.constant 0 : index
    %swap3A_30 = vector.load %arg6[%swap3A, %swap3A_29] : memref<205x16xf32, #tpu.memory_space<vmem>>, vector<205x16xf32>
    tpu.vector_store %arg6[%swap3A, %swap3A_29], %add3A_28 {strides = array<i32>} : memref<205x16xf32, #tpu.memory_space<vmem>>, vector<205x16xf32>,
    return
  }
}

</mosaic_0001>

<sc_bundles>
// kernel: kernel.4.cloned.1.call-start
scs
__scs_entry_jumppad:
0x0: {  	(pc) =	sbr.rel $0x88, $3  }
0x1: {  	(tag) =	ssettag $0x0;
	lr =	simm.s32 $0x1  }
0x2: {  	[smem:$0x3F9A] =	sst lr;
	_ =	strace $0xD0000000  }
0x3: {  	_ = 	snop  }
0x4: {  	_ = 	snop  }
0x5: {  	_ = 	snop  }
0x6: {  	_ = 	snop  }
0x7: {  	_ = 	snop  }
__scs_overlays_trampoline_lowered:
0x8: {  	[smem:$0x3FA9] =	sst s0  }
0x9: {  	[smem:$0x3FAA] =	sst s1  }
0xa: {  	[smem:$0x3FAB] =	sst s2  }
0xb: {  	[smem:$0x3FAC] =	sst s3  }
0xc: {  	[smem:$0x3FAD] =	sst s4  }
0xd: {  	[smem:$0x3FAE] =	sst s5  }
0xe: {  	[smem:$0x3FAF] =	sst s6  }
0xf: {  	[smem:$0x3FB0] =	sst s7  }
0x10: {  	[smem:$0x3FB1] =	sst s8  }
0x11: {  	[smem:$0x3FB2] =	sst s9;
	s0 =	simm.s32 @!p0 $0x0  }
0x12: {  	s1 =	sld [smem:$0x3F98];
	s0 =	simm.s32 @p0 $0x1  }
0x13: {  	[smem:$0x3FB3] =	sst s0;
	s0 =	simm.s32 @!p1 $0x0  }
0x14: {  	s2 =	sld [smem:$0x3F97];
	s0 =	simm.s32 @p1 $0x1  }
0x15: {  	[smem:$0x3FB4] =	sst s0;
	s0 =	simm.s32 @!p2 $0x0  }
0x16: {  	s3 =	sld [smem:$0x3FDB];
	s0 =	simm.s32 @p2 $0x1  }
0x17: {  	s4 =	simm.s32 $0x1BF5;
	[smem:$0x3FB6] =	sst s0  }
0x18: {  	s0 =	sld [smem:$0x3F99];
	_ =	swait.ge [sflag:s4], $0x0  }
0x19: {  	s7 =	sld [smem:$0x3F9A]  }
0x1a: {  	s8 =	sadd.s32 $0xFFFFE003, lr  }
0x1b: {  	s9 =	sadd.s32 $0xFFFFFEF7, lr;
	s5 =	simm.s32 $0xFFFFFFFF;
	p2 =	slt.u32 s8, $0xFFFFF086  }
0x1c: {  	p1 =	slt.u32 s9, $0xF7A;
	s5 =	simm.s32 @!p2 $0x0  }
0x1d: {  	s5 =	simm.s32 @p1 $0x1;
	p0 =	seq.s32 s7, s2  }
0x1e: {  	s7 =	smul.u32 @!p0 $0xF7A, s2;
	p2 =	seq.s32 @!p0 s5, $0x0  }
0x1f: {  	s9 =	smul.u32 $0xF7A, s1;
	s8 =	simm.s32 @!p0 $0x1BF5;
	p2 =	por !p2, p0  }
0x20: {  	[sflag:s8] =	ssyncset.s32 @!p0 $0xFFFFF086;
	s6 =	sadd.s32 @!p0 s3, s7;
	s7 =	simm.s32 @!p0 $0x108  }
0x21: {  	s3 =	sadd.s32 s3, s9;
	s6 =	sadd.s32 @!p0 $0x88, s6;
	s7 =	simm.s32 @p2 $0x1082  }
0x22: {  	[simem:s7], [sflag:s8] =	dma.local @!p0 [hbm:s6], $0xF7A  }
0x23: {  	s9 =	sor.u32 $0xD0000000, s2;
	s6 =	simm.s32 $0x108;
	_ =	swait.ge @!p0 [sflag:s8], $0x0  }
0x24: {  	s3 =	sadd.s32 $0x88, s3;
	s6 =	simm.s32 @!p1 $0x1082;
	[sflag:s4] =	ssyncset.s32 $0xFFFFF086  }
0x25: {  	[simem:s6], [sflag:s4] =	dma.local [hbm:s3], $0xF7A  }
0x26: {  	[smem:$0x3F9A] =	sst s1;
	(tag) =	ssettag s2;
	_ =	strace s9  }
0x27: {  	s1 =	sld [smem:$0x3FAA]  }
0x28: {  	s2 =	sld [smem:$0x3FAB]  }
0x29: {  	s4 =	sld [smem:$0x3FAD]  }
0x2a: {  	p0 =	seq.s32 s5, $0x0;
	s5 =	sld [smem:$0x3FAE]  }
0x2b: {  	s6 =	sld [smem:$0x3FAF]  }
0x2c: {  	s7 =	sld [smem:$0x3FB0]  }
0x2d: {  	s3 =	simm.s32 $0x108;
	s8 =	sld [smem:$0x3FB1]  }
0x2e: {  	s3 =	simm.s32 @!p0 $0x1082;
	s9 =	sld [smem:$0x3FB2]  }
0x2f: {  	lr =	sadd.s32 s0, s3;
	s0 =	sld [smem:$0x3FA9]  }
0x30: {  	s3 =	sld [smem:$0x3FAC]  }
0x31: {  	[smem:$0x3FB5] =	sst s10  }
0x32: {  	s10 =	sld [smem:$0x3FB3];
	_ =	sdelay $0x3  }
0x33: {  	p0 =	seq.s32 s10, $0x1;
	s10 =	sld [smem:$0x3FB5];
	_ =	sdelay $0x3  }
0x34: {  	[smem:$0x3FB5] =	sst s10  }
0x35: {  	s10 =	sld [smem:$0x3FB4];
	_ =	sdelay $0x3  }
0x36: {  	p1 =	seq.s32 s10, $0x1;
	s10 =	sld [smem:$0x3FB5];
	_ =	sdelay $0x3  }
0x37: {  	[smem:$0x3FB5] =	sst s10  }
0x38: {  	s10 =	sld [smem:$0x3FB6]  }
0x39: {  	_ = 	snop;
	(pc) =	sbr.ind lr, $3  }
0x3a: {  	_ = 	snop  }
0x3b: {  	_ = 	snop  }
0x3c: {  	p2 =	seq.s32 s10, $0x1;
	s10 =	sld [smem:$0x3FB5]  }
0x3d: {  	_ =	shalt  }
0x3e: {  	_ =	shalt  }
0x3f: {  	_ =	shalt  }
0x40: {  	_ =	shalt  }
0x41: {  	_ =	shalt  }
0x42: {  	_ =	shalt  }
0x43: {  	_ =	shalt  }
0x44: {  	_ =	shalt  }
0x45: {  	_ =	shalt  }
0x46: {  	_ =	shalt  }
0x47: {  	_ =	shalt  }
0x48: {  	_ =	shalt  }
0x49: {  	_ =	shalt  }
0x4a: {  	_ =	shalt  }
0x4b: {  	_ =	shalt  }
0x4c: {  	_ =	shalt  }
0x4d: {  	_ =	shalt  }
0x4e: {  	_ =	shalt  }
0x4f: {  	_ =	shalt  }
0x50: {  	_ =	shalt  }
0x51: {  	_ =	shalt  }
0x52: {  	_ =	shalt  }
0x53: {  	_ =	shalt  }
0x54: {  	_ =	shalt  }
0x55: {  	_ =	shalt  }
0x56: {  	_ =	shalt  }
0x57: {  	_ =	shalt  }
0x58: {  	_ =	shalt  }
0x59: {  	_ =	shalt  }
0x5a: {  	_ =	shalt  }
0x5b: {  	_ =	shalt  }
0x5c: {  	_ =	shalt  }
0x5d: {  	_ =	shalt  }
0x5e: {  	_ =	shalt  }
0x5f: {  	_ =	shalt  }
0x60: {  	_ =	shalt  }
0x61: {  	_ =	shalt  }
0x62: {  	_ =	shalt  }
0x63: {  	_ =	shalt  }
0x64: {  	_ =	shalt  }
0x65: {  	_ =	shalt  }
0x66: {  	_ =	shalt  }
0x67: {  	_ =	shalt  }
0x68: {  	_ =	shalt  }
0x69: {  	_ =	shalt  }
0x6a: {  	_ =	shalt  }
0x6b: {  	_ =	shalt  }
0x6c: {  	_ =	shalt  }
0x6d: {  	_ =	shalt  }
0x6e: {  	_ =	shalt  }
0x6f: {  	_ =	shalt  }
0x70: {  	_ =	shalt  }
0x71: {  	_ =	shalt  }
0x72: {  	_ =	shalt  }
0x73: {  	_ =	shalt  }
0x74: {  	_ =	shalt  }
0x75: {  	_ =	shalt  }
0x76: {  	_ =	shalt  }
0x77: {  	_ =	shalt  }
0x78: {  	_ =	shalt  }
0x79: {  	_ =	shalt  }
0x7a: {  	_ =	shalt  }
0x7b: {  	_ =	shalt  }
0x7c: {  	_ =	shalt  }
0x7d: {  	_ =	shalt  }
0x7e: {  	_ =	shalt  }
0x7f: {  	_ =	shalt  }
0x80: {  	_ =	shalt  }
0x81: {  	_ =	shalt  }
0x82: {  	_ =	shalt  }
0x83: {  	_ =	shalt  }
0x84: {  	_ =	shalt  }
0x85: {  	_ =	shalt  }
0x86: {  	_ =	shalt  }
0x87: {  	_ =	shalt  }
.Lfunc_end0:
.L_simem_size_0:
called_computation_lowered:
.L_overlay_start_0:
0x88: {  	s2 =	sld [smem:$0x3FD9]  }
0x89: {  	s3 =	sld [smem:$0x3FFE];
	_ =	sdelay $0x1  }
0x8a: {  	s1 =	srdreg.scid  }
0x8b: {  	s0 =	sand.u32 $0x1, s1  }
0x8c: {  	s17 =	sshll.u32 s0, $0xA;
	s2 =	sadd.s32 s3, s2  }
0x8d: {  	s2 =	sadd.s32 s2, s17  }
0x8e: {  	[smem:$0x3FC1] =	sst s2  }
0x8f: {  	_ = 	snop  }
0x90: {  	s2 =	sld [smem:$0x3FD0];
	(tm) =	ssettm $0x1  }
0x91: {  	s18 =	sld [smem:$0x3FFB];
	_ =	sdelay $0x3  }
0x92: {  	_ =	strace s18  }
0x93: {  	s3 =	sld [smem:$0x3FFC];
	_ =	sdelay $0x3  }
0x94: {  	_ =	strace s3  }
0x95: {  	s3 =	sld [smem:$0x3FFD];
	_ =	sdelay $0x3  }
0x96: {  	_ =	strace s3  }
0x97: {  	_ =	strace $0x8FFFFFFF  }
0x98: {  	s19 =	sld [smem:$0x3FDB];
	_ =	sdelay $0x1  }
0x99: {  	s4 =	simm.s32 $_scs_section_size  }
0x9a: {  	s5 =	simm.s32 $_size__tile_overlayer_lowered;
	s6 =	simm.s32 $_tile_overlayer_lowered  }
0x9b: {  	s22 =	simm.s32 $0x1BFF;
	s21 =	sshll.u32 s6, $0x1;
	s3 =	sadd.s32 s4, s19  }
0x9c: {  	s7 =	simm.s32 $0x0;
	s20 =	sshll.u32 s5, $0x1;
	s5 =	sadd.s32 s21, s3  }
0x9d: {  	[timem:s7], [sflag:s22] =	dma.local [hbm:s5], s20  }
0x9e: {  	_ =	swait.ge [sflag:s22], s20  }
0x9f: {  	s4 =	ssub.s32 $0x0, s20;
	[sflag:s22] =	ssyncset.done $0x0  }
0xa0: {  	[sflag:s22] =	ssyncadd.s32 s4;
	_ =	sdelay $0x1  }
0xa1: {  	s23 =	simm.s32 $0x1B8B  }
0xa2: {  	_ =	swait.ge [sflag:s23], $0x1  }
0xa3: {  	[sflag:s23] =	ssyncset.done $0x0  }
0xa4: {  	s25 =	simm.s32 $0x1B8E;
	s24 =	sld [smem:$0x3FFE];
	[sflag:s23] =	ssyncadd.s32 $0xFFFFFFFF  }
0xa5: {  	s26 =	simm.s32 $execute0_lowered;
	[smem:$0x3FD2] =	sst s25  }
0xa6: {  	s5 =	sshll.u32 s26, $0x1;
	_ =	strace $0x80000046;
	[dreg:$0x1] =	wrdreg $0xFFFFFFFF  }
0xa7: {  	s28 =	simm.s32 $_size_execute0_lowered;
	s3 =	sadd.s32 s3, s5;
	[dreg:$0x0] =	wrdreg $0x0  }
0xa8: {  	s5 =	sshll.u32 s28, $0x1;
	[dreg:$0x2] =	wrdreg s3  }
0xa9: {  	[dreg:$0x3] =	wrdreg s5  }
0xaa: {  	[dreg:$0x4] =	wrdreg $0xC0  }
0xab: {  	_ =	task [dreg:s7], $0x5FFFF  }
0xac: {  	[dreg:$0x1] =	wrdreg $0xFFFFFFFF  }
0xad: {  	[dreg:$0x0] =	wrdreg $0x60  }
0xae: {  	[dreg:$0x2] =	wrdreg s24  }
0xaf: {  	[dreg:$0x3] =	wrdreg s2  }
0xb0: {  	[dreg:$0x4] =	wrdreg $0x9  }
0xb1: {  	_ =	task.clear_ibuf [dreg:s7], $0x5FFFF;
	_ =	strace $0x90000046  }
0xb2: {  	s29 =	simm.s32 $0x9;
	_ =	strace $0x80000048  }
0xb3: {  	_ =	swait.ge [sflag:s29], $0x1  }
0xb4: {  	[sflag:s29] =	ssyncadd.s32 $0xFFFFFFFF  }
0xb5: {  	_ =	strace $0x90000048  }
0xb6: {  	_ =	sfence  }
0xb7: {  	s30 =	sld [smem:$0x0];
	_ =	sdelay $0x2  }
0xb8: {  	s31 =	sshll.u32 s1, $0xD;
	s1 =	sshrl.u32 s1, $0x2  }
0xb9: {  	s3 =	sand.u32 $0x4000, s31;
	s1 =	sadd.s32 s1, s30  }
0xba: {  	s0 =	sor.u32 s3, s0;
	s1 =	sshll.u32 s1, $0x11  }
0xbb: {  	s0 =	sor.u32 s1, s0  }
0xbc: {  	s0 =	sadd.s32 $0x8F2B, s0  }
0xbd: {  	[sflag:s0] =	ssyncadd.remote.s32 $0x1  }
0xbe: {  	_ =	sfence.sel $0xFFFF  }
0xbf: {  	[dreg:$0x0] =	wrdreg $0xFFFFFFFF;
	(pc) =	sbr.abs _section_cstart, $3  }
0xc0: {  	[dreg:$0x1] =	wrdreg $0xFFFFFFFF  }
0xc1: {  	_ =	task.clear_ibuf [dreg:s7], $0x2FFFF;
	_ =	strace $0x9FFFFFFF  }
0xc2: {  	(tm) =	ssettm $0x7FFFFFFF  }
0xc3: {  	_ =	shalt  }
tec
execute0_lowered:
.L_overlay_start_1:
0x0: {  	(tag) =	ssettag $0x1  }
0x1: {  	s0 =	rddreg [dreg:$0x0];
	s2 =	srdreg.scid  }
0x2: {  	s1 =	rddreg [dreg:$0x1];
	s5 =	stileid.u32;
	s3 =	sand.u32 $0x1, s2  }
0x3: {  	s4 =	sshll.u32 s5, $0x1;
	s2 =	simm.s32 $0x0;
	s5 =	sshrl.u32 s5, $0x2  }
0x4: {  	s7 =	sadd.s32 $0xA00, s0;
	s8 =	sadd.s32 $0xC00, s0;
	s4 =	sor.u32 s3, s4  }
0x5: {  	[smem:$0x7FF] =	sst s2;
	s5 =	smul.u32 $0x32000, s5;
	s3 =	ssub.s32 $0x2, s3  }
0x6: {  	v0 =	vimm.s32 $0x4;
	v1 =	vimm.s32 $0x0;
	s6 =	sshll.u32 s4, $0x7;
	_ =	strace $0x80000047;
	[dreg:$0x6] =	wrdreg s7  }
0x7: {  	v2 =	vlaneseq.u32;
	v3 =	vimm.s32 $0x1;
	v4 =	vimm.s32 $0x2;
	s28 =	sshrl.u32 s3, $0x1;
	s31 =	smul.u32 $0x6400, s4;
	s6 =	sand.u32 $0x380, s6  }
0x8: {  	v5 =	vimm.s32 $0x3;
	v6 =	vimm.s32 $0x5;
	v7 =	vimm.s32 $0x6;
	[dreg:$0x7] =	wrdreg s8;
	s29 =	ssub.s32 s3, s28;
	s5 =	sor.u32 s5, s6  }
0x9: {  	v8 =	vimm.s32 $0x7;
	v9 =	vimm.s32 $0x8;
	v10 =	vimm.s32 $0x9;
	s0 =	smax.u32 s29, $0x1;
	[dreg:$0x8] =	wrdreg s31;
	s30 =	sshrl.u32 s5, $0x3  }
0xa: {  	v11 =	vimm.s32 $0xA;
	v12 =	vimm.s32 $0xB;
	v13 =	vimm.s32 $0xC;
	[dreg:$0xa] =	wrdreg s0;
	s1 =	sadd.s32 s1, s30  }
0xb: {  	s12 =	simm.s32 $0x7100;
	v14 =	vimm.s32 $0xD;
	v15 =	vimm.s32 $0xE;
	v16 =	vimm.s32 $0xF;
	s3 =	simm.s32 $0x0;
	[dreg:$0x9] =	wrdreg s1  }
.LBB2_1:
0xc: {  	[dreg:$0xb] =	wrdreg s3  }
0xd: {  	s0 =	rddreg [dreg:$0x6];
	s1 =	simm.s32 $0x3  }
0xe: {  	[tilespmem:s2], [sflag:$0x3] =	stream.linear.gather [hbm4b:s0+s2], $0xD00, $0x38;
	[tilespmem:$0x1B100] =	vst v63  }
0xf: {  	_ =	swait.ge [sflag:s1], $0xD00  }
0x10: {  	s31 =	simm.s32 $0x80;
	s4 =	simm.s32 $0x400;
	[sflag:s1] =	ssyncset.done $0x0  }
0x11: {  	s6 =	simm.s32 $0xD00;
	s30 =	rddreg [dreg:$0x9];
	[sflag:s1] =	ssyncadd.s32 $0xFFFFF300  }
0x12: {  	[tilespmem:s6], [sflag:$0x3] =	stream.strided.gather [hbm4b:s30+s31], $0x6400, s4, s31, $0x38;
	[tilespmem:$0x1B100] =	vst v63  }
0x13: {  	_ =	swait.ge [sflag:s1], $0x6400  }
0x14: {  	s10 =	simm.s32 $0xE50;
	[sflag:s1] =	ssyncset.done $0x0  }
0x15: {  	s11 =	simm.s32 $0x0;
	s13 =	simm.s32 $0x0;
	[sflag:s1] =	ssyncadd.s32 $0xFFFF9C00  }
.LBB2_2:
0x16: {  	p0 =	seq.s32 s13, $0x0  }
0x17: {  	[dreg:$0xc] =	wrdreg s10;
	s0 =	sadd.s32 $0x0, s11;
	s1 =	simm.s32 @!p0 $0x1  }
0x18: {  	s3 =	simm.s32 $0x0;
	s0 =	sand.u32 $0x1FF80, s0;
	_ =	swait.ge @!p0 [sflag:s1], $0xA000  }
0x19: {  	s3 =	sand.u32 $0x60, s3;
	s0 =	sadd.s32 $0xD00, s0;
	[sflag:s1] =	ssyncset.done @!p0 $0x0  }
0x1a: {  	s19 =	sor.u32 s3, s0;
	[sflag:s1] =	ssyncadd.s32 @!p0 $0xFFFF6000  }
0x1b: {  	v17 =	vld [tilespmem:s19+$0x0];
	_ =	sdelay $0x4  }
0x1c: {  	v17 =	vshll.u32 v17, $0x4  }
0x1d: {  	v18 =	vperm.xlane v17, v1;
	_ =	sdelay $0x1  }
0x1e: {  	v18 =	vadd.s32 v2, v18;
	_ =	sdelay $0x3  }
0x1f: {  	s20 =	simm.s32 $0x0;
	v19 =	vperm.xlane v17, v3  }
0x20: {  	v20 =	vor.u32 s20, v2;
	v18 =	vld.idx.msk [tilespmem:v18+s2+$0x0], $0xffff  }
0x21: {  	v19 =	vadd.s32 v2, v19;
	_ =	sdelay $0x3  }
0x22: {  	s21 =	simm.s32 $0x80;
	v21 =	vperm.xlane v17, v4;
	[tilespmem:v20+s12+$0x0] =	vst.idx.msk $0xffff, v18  }
0x23: {  	v18 =	vld.idx.msk [tilespmem:v19+s2+$0x0], $0xffff;
	v19 =	vor.u32 s21, v2  }
0x24: {  	v20 =	vadd.s32 v2, v21;
	_ =	sdelay $0x3  }
0x25: {  	s22 =	simm.s32 $0x100;
	v40 =	vperm.xlane v17, v5;
	[tilespmem:v19+s12+$0x0] =	vst.idx.msk $0xffff, v18  }
0x26: {  	v19 =	vor.u32 s22, v2;
	v18 =	vld.idx.msk [tilespmem:v20+s2+$0x0], $0xffff  }
0x27: {  	v20 =	vadd.s32 v2, v40;
	_ =	sdelay $0x3  }
0x28: {  	s23 =	simm.s32 $0x180;
	v41 =	vperm.xlane v17, v0;
	[tilespmem:v19+s12+$0x0] =	vst.idx.msk $0xffff, v18  }
0x29: {  	v19 =	vor.u32 s23, v2;
	v18 =	vld.idx.msk [tilespmem:v20+s2+$0x0], $0xffff  }
0x2a: {  	v20 =	vadd.s32 v2, v41;
	_ =	sdelay $0x3  }
0x2b: {  	s24 =	simm.s32 $0x200;
	v42 =	vperm.xlane v17, v6;
	[tilespmem:v19+s12+$0x0] =	vst.idx.msk $0xffff, v18  }
0x2c: {  	v19 =	vor.u32 s24, v2;
	v18 =	vld.idx.msk [tilespmem:v20+s2+$0x0], $0xffff  }
0x2d: {  	v20 =	vadd.s32 v2, v42;
	_ =	sdelay $0x3  }
0x2e: {  	s25 =	simm.s32 $0x280;
	v43 =	vperm.xlane v17, v7;
	[tilespmem:v19+s12+$0x0] =	vst.idx.msk $0xffff, v18  }
0x2f: {  	v19 =	vor.u32 s25, v2;
	v18 =	vld.idx.msk [tilespmem:v20+s2+$0x0], $0xffff  }
0x30: {  	v20 =	vadd.s32 v2, v43;
	_ =	sdelay $0x3  }
0x31: {  	s26 =	simm.s32 $0x300;
	[tilespmem:v19+s12+$0x0] =	vst.idx.msk $0xffff, v18;
	v18 =	vperm.xlane v17, v8  }
0x32: {  	v19 =	vld.idx.msk [tilespmem:v20+s2+$0x0], $0xffff;
	v20 =	vor.u32 s26, v2  }
0x33: {  	v18 =	vadd.s32 v2, v18;
	_ =	sdelay $0x3  }
0x34: {  	s28 =	simm.s32 $0x380;
	v44 =	vperm.xlane v17, v9;
	[tilespmem:v20+s12+$0x0] =	vst.idx.msk $0xffff, v19  }
0x35: {  	v19 =	vor.u32 s28, v2;
	v18 =	vld.idx.msk [tilespmem:v18+s2+$0x0], $0xffff  }
0x36: {  	v20 =	vadd.s32 v2, v44;
	_ =	sdelay $0x3  }
0x37: {  	s29 =	simm.s32 $0x400;
	v45 =	vperm.xlane v17, v10;
	[tilespmem:v19+s12+$0x0] =	vst.idx.msk $0xffff, v18  }
0x38: {  	v19 =	vor.u32 s29, v2;
	v18 =	vld.idx.msk [tilespmem:v20+s2+$0x0], $0xffff  }
0x39: {  	v20 =	vadd.s32 v2, v45;
	_ =	sdelay $0x3  }
0x3a: {  	s30 =	simm.s32 $0x480;
	v46 =	vperm.xlane v17, v11;
	[tilespmem:v19+s12+$0x0] =	vst.idx.msk $0xffff, v18  }
0x3b: {  	v19 =	vor.u32 s30, v2;
	v18 =	vld.idx.msk [tilespmem:v20+s2+$0x0], $0xffff  }
0x3c: {  	v20 =	vadd.s32 v2, v46;
	_ =	sdelay $0x3  }
0x3d: {  	s31 =	simm.s32 $0x500;
	v47 =	vperm.xlane v17, v12;
	[tilespmem:v19+s12+$0x0] =	vst.idx.msk $0xffff, v18  }
0x3e: {  	v19 =	vor.u32 s31, v2;
	v18 =	vld.idx.msk [tilespmem:v20+s2+$0x0], $0xffff  }
0x3f: {  	v20 =	vadd.s32 v2, v47;
	_ =	sdelay $0x3  }
0x40: {  	s3 =	simm.s32 $0x580;
	v48 =	vperm.xlane v17, v13;
	[tilespmem:v19+s12+$0x0] =	vst.idx.msk $0xffff, v18  }
0x41: {  	v19 =	vor.u32 s3, v2;
	v18 =	vld.idx.msk [tilespmem:v20+s2+$0x0], $0xffff  }
0x42: {  	v20 =	vadd.s32 v2, v48;
	_ =	sdelay $0x3  }
0x43: {  	s4 =	simm.s32 $0x600;
	v49 =	vperm.xlane v17, v14;
	[tilespmem:v19+s12+$0x0] =	vst.idx.msk $0xffff, v18  }
0x44: {  	v19 =	vor.u32 s4, v2;
	v18 =	vld.idx.msk [tilespmem:v20+s2+$0x0], $0xffff  }
0x45: {  	v20 =	vadd.s32 v2, v49;
	_ =	sdelay $0x3  }
0x46: {  	s5 =	simm.s32 $0x680;
	v50 =	vperm.xlane v17, v15;
	[tilespmem:v19+s12+$0x0] =	vst.idx.msk $0xffff, v18  }
0x47: {  	v19 =	vor.u32 s5, v2;
	v18 =	vld.idx.msk [tilespmem:v20+s2+$0x0], $0xffff  }
0x48: {  	v20 =	vadd.s32 v2, v50;
	_ =	sdelay $0x3  }
0x49: {  	s6 =	simm.s32 $0x700;
	v17 =	vperm.xlane v17, v16;
	[tilespmem:v19+s12+$0x0] =	vst.idx.msk $0xffff, v18  }
0x4a: {  	v19 =	vor.u32 s6, v2;
	v18 =	vld.idx.msk [tilespmem:v20+s2+$0x0], $0xffff  }
0x4b: {  	v17 =	vadd.s32 v2, v17;
	_ =	sdelay $0x3  }
0x4c: {  	s7 =	simm.s32 $0x780;
	[tilespmem:v19+s12+$0x0] =	vst.idx.msk $0xffff, v18  }
0x4d: {  	v18 =	vor.u32 s7, v2;
	v17 =	vld.idx.msk [tilespmem:v17+s2+$0x0], $0xffff;
	_ =	sdelay $0x2  }
0x4e: {  	s8 =	simm.s32 $0x10  }
0x4f: {  	s1 =	sand.u32 $0x70, s8  }
0x50: {  	s0 =	sor.u32 s1, s0;
	[tilespmem:v18+s12+$0x0] =	vst.idx.msk $0xffff, v17  }
0x51: {  	v17 =	vld [tilespmem:s0+$0x0];
	_ =	sdelay $0x4  }
0x52: {  	v17 =	vshll.u32 v17, $0x4  }
0x53: {  	v18 =	vperm.xlane v17, v1;
	_ =	sdelay $0x1  }
0x54: {  	v18 =	vadd.s32 v2, v18;
	_ =	sdelay $0x3  }
0x55: {  	s9 =	simm.s32 $0x800;
	v19 =	vperm.xlane v17, v3  }
0x56: {  	v20 =	vor.u32 s9, v2;
	v18 =	vld.idx.msk [tilespmem:v18+s2+$0x0], $0xffff  }
0x57: {  	v19 =	vadd.s32 v2, v19;
	_ =	sdelay $0x3  }
0x58: {  	s10 =	simm.s32 $0x880;
	v51 =	vperm.xlane v17, v4;
	[tilespmem:v20+s12+$0x0] =	vst.idx.msk $0xffff, v18  }
0x59: {  	v18 =	vld.idx.msk [tilespmem:v19+s2+$0x0], $0xffff;
	v19 =	vor.u32 s10, v2  }
0x5a: {  	v20 =	vadd.s32 v2, v51;
	_ =	sdelay $0x3  }
0x5b: {  	s14 =	simm.s32 $0x900;
	v52 =	vperm.xlane v17, v5;
	[tilespmem:v19+s12+$0x0] =	vst.idx.msk $0xffff, v18  }
0x5c: {  	v19 =	vor.u32 s14, v2;
	v18 =	vld.idx.msk [tilespmem:v20+s2+$0x0], $0xffff  }
0x5d: {  	v20 =	vadd.s32 v2, v52;
	_ =	sdelay $0x3  }
0x5e: {  	s15 =	simm.s32 $0x980;
	v53 =	vperm.xlane v17, v0;
	[tilespmem:v19+s12+$0x0] =	vst.idx.msk $0xffff, v18  }
0x5f: {  	v19 =	vor.u32 s15, v2;
	v18 =	vld.idx.msk [tilespmem:v20+s2+$0x0], $0xffff  }
0x60: {  	v20 =	vadd.s32 v2, v53;
	_ =	sdelay $0x3  }
0x61: {  	s16 =	simm.s32 $0xA00;
	v54 =	vperm.xlane v17, v6;
	[tilespmem:v19+s12+$0x0] =	vst.idx.msk $0xffff, v18  }
0x62: {  	v19 =	vor.u32 s16, v2;
	v18 =	vld.idx.msk [tilespmem:v20+s2+$0x0], $0xffff  }
0x63: {  	v20 =	vadd.s32 v2, v54;
	_ =	sdelay $0x3  }
0x64: {  	s17 =	simm.s32 $0xA80;
	v55 =	vperm.xlane v17, v7;
	[tilespmem:v19+s12+$0x0] =	vst.idx.msk $0xffff, v18  }
0x65: {  	v19 =	vor.u32 s17, v2;
	v18 =	vld.idx.msk [tilespmem:v20+s2+$0x0], $0xffff  }
0x66: {  	v20 =	vadd.s32 v2, v55;
	_ =	sdelay $0x3  }
0x67: {  	s18 =	simm.s32 $0xB00;
	v56 =	vperm.xlane v17, v8;
	[tilespmem:v19+s12+$0x0] =	vst.idx.msk $0xffff, v18  }
0x68: {  	v19 =	vor.u32 s18, v2;
	v18 =	vld.idx.msk [tilespmem:v20+s2+$0x0], $0xffff  }
0x69: {  	v20 =	vadd.s32 v2, v56;
	_ =	sdelay $0x3  }
0x6a: {  	s19 =	simm.s32 $0xB80;
	v57 =	vperm.xlane v17, v9;
	[tilespmem:v19+s12+$0x0] =	vst.idx.msk $0xffff, v18  }
0x6b: {  	v19 =	vor.u32 s19, v2;
	v18 =	vld.idx.msk [tilespmem:v20+s2+$0x0], $0xffff  }
0x6c: {  	v20 =	vadd.s32 v2, v57;
	_ =	sdelay $0x3  }
0x6d: {  	s20 =	simm.s32 $0xC00;
	v58 =	vperm.xlane v17, v10;
	[tilespmem:v19+s12+$0x0] =	vst.idx.msk $0xffff, v18  }
0x6e: {  	v19 =	vor.u32 s20, v2;
	v18 =	vld.idx.msk [tilespmem:v20+s2+$0x0], $0xffff  }
0x6f: {  	v20 =	vadd.s32 v2, v58;
	_ =	sdelay $0x3  }
0x70: {  	s21 =	simm.s32 $0xC80;
	v59 =	vperm.xlane v17, v11;
	[tilespmem:v19+s12+$0x0] =	vst.idx.msk $0xffff, v18  }
0x71: {  	v19 =	vor.u32 s21, v2;
	v18 =	vld.idx.msk [tilespmem:v20+s2+$0x0], $0xffff  }
0x72: {  	v20 =	vadd.s32 v2, v59;
	_ =	sdelay $0x3  }
0x73: {  	s22 =	simm.s32 $0xD00;
	v60 =	vperm.xlane v17, v12;
	[tilespmem:v19+s12+$0x0] =	vst.idx.msk $0xffff, v18  }
0x74: {  	v19 =	vor.u32 s22, v2;
	v18 =	vld.idx.msk [tilespmem:v20+s2+$0x0], $0xffff  }
0x75: {  	v20 =	vadd.s32 v2, v60;
	_ =	sdelay $0x3  }
0x76: {  	s23 =	simm.s32 $0xD80;
	v61 =	vperm.xlane v17, v13;
	[tilespmem:v19+s12+$0x0] =	vst.idx.msk $0xffff, v18  }
0x77: {  	v19 =	vor.u32 s23, v2;
	v18 =	vld.idx.msk [tilespmem:v20+s2+$0x0], $0xffff  }
0x78: {  	v20 =	vadd.s32 v2, v61;
	_ =	sdelay $0x3  }
0x79: {  	s24 =	simm.s32 $0xE00;
	v62 =	vperm.xlane v17, v14;
	[tilespmem:v19+s12+$0x0] =	vst.idx.msk $0xffff, v18  }
0x7a: {  	v19 =	vor.u32 s24, v2;
	v18 =	vld.idx.msk [tilespmem:v20+s2+$0x0], $0xffff  }
0x7b: {  	v20 =	vadd.s32 v2, v62;
	_ =	sdelay $0x3  }
0x7c: {  	s25 =	simm.s32 $0xE80;
	v63 =	vperm.xlane v17, v15;
	[tilespmem:v19+s12+$0x0] =	vst.idx.msk $0xffff, v18  }
0x7d: {  	v19 =	vor.u32 s25, v2;
	v18 =	vld.idx.msk [tilespmem:v20+s2+$0x0], $0xffff  }
0x7e: {  	v20 =	vadd.s32 v2, v63;
	_ =	sdelay $0x3  }
0x7f: {  	s26 =	simm.s32 $0xF00;
	v17 =	vperm.xlane v17, v16;
	[tilespmem:v19+s12+$0x0] =	vst.idx.msk $0xffff, v18  }
0x80: {  	v19 =	vor.u32 s26, v2;
	v18 =	vld.idx.msk [tilespmem:v20+s2+$0x0], $0xffff  }
0x81: {  	s28 =	smul.u32 $0x280, s13;
	v17 =	vadd.s32 v2, v17  }
0x82: {  	[dreg:$0xd] =	wrdreg s13  }
0x83: {  	[dreg:$0xe] =	wrdreg s28  }
0x84: {  	s29 =	simm.s32 $0xF80;
	s30 =	sadd.s32 $0x20, s11;
	s31 =	simm.s32 $0x20  }
0x85: {  	s1 =	sand.u32 $0x60, s31;
	s4 =	sand.u32 $0x1FF80, s30;
	s0 =	simm.s32 $0x1000;
	[tilespmem:v19+s12+$0x0] =	vst.idx.msk $0xffff, v18  }
0x86: {  	s21 =	simm.s32 $0x3F;
	s22 =	simm.s32 $0x2;
	s24 =	sadd.s32 $0xD00, s4;
	v18 =	vor.u32 s29, v2;
	v17 =	vld.idx.msk [tilespmem:v17+s2+$0x0], $0xffff  }
.LBB2_3:
0x87: {  	_ =	sdelay $0x3  }
0x88: {  	s1 =	sor.u32 s1, s24;
	[tilespmem:v18+s12+$0x0] =	vst.idx.msk $0xffff, v17  }
0x89: {  	v17 =	vld [tilespmem:s1+$0x0];
	_ =	sdelay $0x4  }
0x8a: {  	v24 =	vshll.u32 v17, $0x4  }
0x8b: {  	v17 =	vperm.xlane v24, v1;
	_ =	sdelay $0x1  }
0x8c: {  	v17 =	vadd.s32 v2, v17;
	_ =	sdelay $0x3  }
0x8d: {  	v25 =	vperm.xlane v24, v3  }
0x8e: {  	v33 =	vor.u32 s0, v2;
	v32 =	vld.idx.msk [tilespmem:v17+s2+$0x0], $0xffff  }
0x8f: {  	v25 =	vadd.s32 v2, v25;
	_ =	sdelay $0x2  }
0x90: {  	s23 =	sshll.u32 s21, $0x7  }
0x91: {  	s17 =	sadd.s32 $0xFFFFF100, s23;
	v26 =	vperm.xlane v24, v4;
	[tilespmem:v33+s12+$0x0] =	vst.idx.msk $0xffff, v32  }
0x92: {  	v44 =	vor.u32 s17, v2;
	v25 =	vld.idx.msk [tilespmem:v25+s2+$0x0], $0xffff  }
0x93: {  	v26 =	vadd.s32 v2, v26;
	_ =	sdelay $0x3  }
0x94: {  	s25 =	sadd.s32 $0xFFFFF180, s23;
	v27 =	vperm.xlane v24, v5;
	[tilespmem:v44+s12+$0x0] =	vst.idx.msk $0xffff, v25  }
0x95: {  	v45 =	vor.u32 s25, v2;
	v25 =	vld.idx.msk [tilespmem:v26+s2+$0x0], $0xffff  }
0x96: {  	v27 =	vadd.s32 v2, v27;
	_ =	sdelay $0x3  }
0x97: {  	s18 =	sadd.s32 $0xFFFFF200, s23;
	v28 =	vperm.xlane v24, v0;
	[tilespmem:v45+s12+$0x0] =	vst.idx.msk $0xffff, v25  }
0x98: {  	v46 =	vor.u32 s18, v2;
	v25 =	vld.idx.msk [tilespmem:v27+s2+$0x0], $0xffff  }
0x99: {  	v47 =	vadd.s32 v2, v28;
	_ =	sdelay $0x3  }
0x9a: {  	s0 =	sadd.s32 $0xFFFFF280, s23;
	v29 =	vperm.xlane v24, v6;
	[tilespmem:v46+s12+$0x0] =	vst.idx.msk $0xffff, v25  }
0x9b: {  	v48 =	vor.u32 s0, v2;
	v25 =	vld.idx.msk [tilespmem:v47+s2+$0x0], $0xffff  }
0x9c: {  	v49 =	vadd.s32 v2, v29;
	_ =	sdelay $0x3  }
0x9d: {  	s13 =	sadd.s32 $0xFFFFF300, s23;
	v30 =	vperm.xlane v24, v7;
	[tilespmem:v48+s12+$0x0] =	vst.idx.msk $0xffff, v25  }
0x9e: {  	v50 =	vor.u32 s13, v2;
	v25 =	vld.idx.msk [tilespmem:v49+s2+$0x0], $0xffff  }
0x9f: {  	v31 =	vperm.xlane v24, v9;
	v51 =	vadd.s32 v2, v30  }
0xa0: {  	v23 =	vperm.xlane v24, v10;
	v22 =	vperm.xlane v24, v11  }
0xa1: {  	v21 =	vperm.xlane v24, v12;
	v20 =	vperm.xlane v24, v13  }
0xa2: {  	v19 =	vperm.xlane v24, v14;
	v18 =	vperm.xlane v24, v15  }
0xa3: {  	s19 =	sadd.s32 $0xFFFFF380, s23;
	v17 =	vperm.xlane v24, v16;
	v24 =	vperm.xlane v24, v8;
	[tilespmem:v50+s12+$0x0] =	vst.idx.msk $0xffff, v25  }
0xa4: {  	v52 =	vor.u32 s19, v2;
	v25 =	vld.idx.msk [tilespmem:v51+s2+$0x0], $0xffff  }
0xa5: {  	v24 =	vadd.s32 v2, v24;
	_ =	sdelay $0x3  }
0xa6: {  	s19 =	sadd.s32 $0xFFFFF400, s23;
	[tilespmem:v52+s12+$0x0] =	vst.idx.msk $0xffff, v25  }
0xa7: {  	v53 =	vor.u32 s19, v2;
	v24 =	vld.idx.msk [tilespmem:v24+s2+$0x0], $0xffff  }
0xa8: {  	v54 =	vadd.s32 v2, v31;
	_ =	sdelay $0x3  }
0xa9: {  	s17 =	sadd.s32 $0xFFFFF480, s23;
	[tilespmem:v53+s12+$0x0] =	vst.idx.msk $0xffff, v24  }
0xaa: {  	v55 =	vor.u32 s17, v2;
	v24 =	vld.idx.msk [tilespmem:v54+s2+$0x0], $0xffff  }
0xab: {  	v23 =	vadd.s32 v2, v23;
	_ =	sdelay $0x3  }
0xac: {  	s20 =	sadd.s32 $0xFFFFF500, s23;
	[tilespmem:v55+s12+$0x0] =	vst.idx.msk $0xffff, v24  }
0xad: {  	v56 =	vor.u32 s20, v2;
	v23 =	vld.idx.msk [tilespmem:v23+s2+$0x0], $0xffff  }
0xae: {  	v22 =	vadd.s32 v2, v22;
	_ =	sdelay $0x3  }
0xaf: {  	s5 =	sadd.s32 $0xFFFFF580, s23;
	[tilespmem:v56+s12+$0x0] =	vst.idx.msk $0xffff, v23  }
0xb0: {  	v57 =	vor.u32 s5, v2;
	v22 =	vld.idx.msk [tilespmem:v22+s2+$0x0], $0xffff  }
0xb1: {  	v21 =	vadd.s32 v2, v21;
	_ =	sdelay $0x3  }
0xb2: {  	s4 =	sadd.s32 $0xFFFFF600, s23;
	[tilespmem:v57+s12+$0x0] =	vst.idx.msk $0xffff, v22  }
0xb3: {  	v58 =	vor.u32 s4, v2;
	v21 =	vld.idx.msk [tilespmem:v21+s2+$0x0], $0xffff  }
0xb4: {  	v20 =	vadd.s32 v2, v20;
	_ =	sdelay $0x3  }
0xb5: {  	s16 =	sadd.s32 $0xFFFFF680, s23;
	[tilespmem:v58+s12+$0x0] =	vst.idx.msk $0xffff, v21  }
0xb6: {  	v59 =	vor.u32 s16, v2;
	v20 =	vld.idx.msk [tilespmem:v20+s2+$0x0], $0xffff  }
0xb7: {  	v19 =	vadd.s32 v2, v19;
	_ =	sdelay $0x3  }
0xb8: {  	s8 =	sadd.s32 $0xFFFFF700, s23;
	[tilespmem:v59+s12+$0x0] =	vst.idx.msk $0xffff, v20  }
0xb9: {  	v20 =	vor.u32 s8, v2;
	v19 =	vld.idx.msk [tilespmem:v19+s2+$0x0], $0xffff  }
0xba: {  	v18 =	vadd.s32 v2, v18;
	_ =	sdelay $0x3  }
0xbb: {  	s15 =	sadd.s32 $0xFFFFF780, s23;
	[tilespmem:v20+s12+$0x0] =	vst.idx.msk $0xffff, v19  }
0xbc: {  	v19 =	vor.u32 s15, v2;
	v18 =	vld.idx.msk [tilespmem:v18+s2+$0x0], $0xffff  }
0xbd: {  	v17 =	vadd.s32 v2, v17;
	_ =	sdelay $0x3  }
0xbe: {  	s14 =	sadd.s32 $0xFFFFF800, s23;
	[tilespmem:v19+s12+$0x0] =	vst.idx.msk $0xffff, v18  }
0xbf: {  	v18 =	vor.u32 s14, v2;
	v17 =	vld.idx.msk [tilespmem:v17+s2+$0x0], $0xffff  }
0xc0: {  	s25 =	sadd.s32 $0xFFFFFE80, s23  }
0xc1: {  	[dreg:$0x5] =	wrdreg s25;
	s25 =	sadd.s32 $0xFFFFFF00, s23  }
0xc2: {  	s20 =	sadd.s32 $0xFFFFFFF1, s21;
	[dreg:$0x4] =	wrdreg s25;
	s25 =	sadd.s32 $0xFFFFFF80, s23  }
0xc3: {  	[dreg:$0x3] =	wrdreg s25;
	s25 =	sand.u32 $0x70, s20  }
0xc4: {  	s4 =	sor.u32 s25, s24;
	[tilespmem:v18+s12+$0x0] =	vst.idx.msk $0xffff, v17  }
0xc5: {  	v17 =	vld [tilespmem:s4+$0x0];
	_ =	sdelay $0x4  }
0xc6: {  	v17 =	vshll.u32 v17, $0x4  }
0xc7: {  	v18 =	vperm.xlane v17, v1;
	_ =	sdelay $0x1  }
0xc8: {  	v18 =	vadd.s32 v2, v18;
	_ =	sdelay $0x3  }
0xc9: {  	s0 =	sshll.u32 s20, $0x7;
	v60 =	vperm.xlane v17, v3  }
0xca: {  	v43 =	vor.u32 s0, v2;
	v32 =	vld.idx.msk [tilespmem:v18+s2+$0x0], $0xffff  }
0xcb: {  	v21 =	vadd.s32 v2, v60;
	_ =	sdelay $0x3  }
0xcc: {  	s7 =	sadd.s32 $0xFFFFF900, s23;
	v61 =	vperm.xlane v17, v4;
	[tilespmem:v43+s12+$0x0] =	vst.idx.msk $0xffff, v32  }
0xcd: {  	v44 =	vor.u32 s7, v2;
	v21 =	vld.idx.msk [tilespmem:v21+s2+$0x0], $0xffff  }
0xce: {  	v22 =	vadd.s32 v2, v61;
	_ =	sdelay $0x3  }
0xcf: {  	s6 =	sadd.s32 $0xFFFFF980, s23;
	v62 =	vperm.xlane v17, v5;
	[tilespmem:v44+s12+$0x0] =	vst.idx.msk $0xffff, v21  }
0xd0: {  	v45 =	vor.u32 s6, v2;
	v21 =	vld.idx.msk [tilespmem:v22+s2+$0x0], $0xffff  }
0xd1: {  	v23 =	vadd.s32 v2, v62;
	_ =	sdelay $0x3  }
0xd2: {  	s3 =	sadd.s32 $0xFFFFFA00, s23;
	v63 =	vperm.xlane v17, v0;
	[tilespmem:v45+s12+$0x0] =	vst.idx.msk $0xffff, v21  }
0xd3: {  	v46 =	vor.u32 s3, v2;
	v21 =	vld.idx.msk [tilespmem:v23+s2+$0x0], $0xffff  }
0xd4: {  	v47 =	vadd.s32 v2, v63;
	_ =	sdelay $0x3  }
0xd5: {  	s1 =	sadd.s32 $0xFFFFFA80, s23;
	v36 =	vperm.xlane v17, v6;
	[tilespmem:v46+s12+$0x0] =	vst.idx.msk $0xffff, v21  }
0xd6: {  	v48 =	vor.u32 s1, v2;
	v21 =	vld.idx.msk [tilespmem:v47+s2+$0x0], $0xffff  }
0xd7: {  	v49 =	vadd.s32 v2, v36;
	_ =	sdelay $0x3  }
0xd8: {  	s10 =	sadd.s32 $0xFFFFFB00, s23;
	v37 =	vperm.xlane v17, v7;
	[tilespmem:v48+s12+$0x0] =	vst.idx.msk $0xffff, v21  }
0xd9: {  	v50 =	vor.u32 s10, v2;
	v21 =	vld.idx.msk [tilespmem:v49+s2+$0x0], $0xffff  }
0xda: {  	v51 =	vadd.s32 v2, v37;
	_ =	sdelay $0x3  }
0xdb: {  	s9 =	sadd.s32 $0xFFFFFB80, s23;
	v38 =	vperm.xlane v17, v8;
	[tilespmem:v50+s12+$0x0] =	vst.idx.msk $0xffff, v21  }
0xdc: {  	v52 =	vor.u32 s9, v2;
	v21 =	vld.idx.msk [tilespmem:v51+s2+$0x0], $0xffff  }
0xdd: {  	v53 =	vadd.s32 v2, v38;
	_ =	sdelay $0x3  }
0xde: {  	s26 =	sadd.s32 $0xFFFFFC00, s23;
	v39 =	vperm.xlane v17, v9;
	[tilespmem:v52+s12+$0x0] =	vst.idx.msk $0xffff, v21  }
0xdf: {  	v54 =	vor.u32 s26, v2;
	v21 =	vld.idx.msk [tilespmem:v53+s2+$0x0], $0xffff  }
0xe0: {  	v55 =	vadd.s32 v2, v39;
	_ =	sdelay $0x3  }
0xe1: {  	s28 =	sadd.s32 $0xFFFFFC80, s23;
	v40 =	vperm.xlane v17, v10;
	[tilespmem:v54+s12+$0x0] =	vst.idx.msk $0xffff, v21  }
0xe2: {  	v56 =	vor.u32 s28, v2;
	v21 =	vld.idx.msk [tilespmem:v55+s2+$0x0], $0xffff  }
0xe3: {  	v57 =	vadd.s32 v2, v40;
	_ =	sdelay $0x3  }
0xe4: {  	s31 =	sadd.s32 $0xFFFFFD00, s23;
	v41 =	vperm.xlane v17, v11;
	[tilespmem:v56+s12+$0x0] =	vst.idx.msk $0xffff, v21  }
0xe5: {  	v58 =	vor.u32 s31, v2;
	v21 =	vld.idx.msk [tilespmem:v57+s2+$0x0], $0xffff  }
0xe6: {  	v59 =	vadd.s32 v2, v41;
	_ =	sdelay $0x3  }
0xe7: {  	s30 =	sadd.s32 $0xFFFFFD80, s23;
	v42 =	vperm.xlane v17, v12;
	[tilespmem:v58+s12+$0x0] =	vst.idx.msk $0xffff, v21  }
0xe8: {  	v60 =	vor.u32 s30, v2;
	v21 =	vld.idx.msk [tilespmem:v59+s2+$0x0], $0xffff  }
0xe9: {  	v61 =	vadd.s32 v2, v42;
	_ =	sdelay $0x3  }
0xea: {  	s29 =	sadd.s32 $0xFFFFFE00, s23;
	v20 =	vperm.xlane v17, v13;
	[tilespmem:v60+s12+$0x0] =	vst.idx.msk $0xffff, v21  }
0xeb: {  	v62 =	vor.u32 s29, v2;
	v21 =	vld.idx.msk [tilespmem:v61+s2+$0x0], $0xffff  }
0xec: {  	v20 =	vadd.s32 v2, v20;
	_ =	sdelay $0x3  }
0xed: {  	s26 =	rddreg [dreg:$0x5];
	v19 =	vperm.xlane v17, v14;
	[tilespmem:v62+s12+$0x0] =	vst.idx.msk $0xffff, v21  }
0xee: {  	v63 =	vor.u32 s26, v2;
	v20 =	vld.idx.msk [tilespmem:v20+s2+$0x0], $0xffff  }
0xef: {  	v19 =	vadd.s32 v2, v19;
	_ =	sdelay $0x3  }
0xf0: {  	s28 =	rddreg [dreg:$0x4];
	v18 =	vperm.xlane v17, v15;
	[tilespmem:v63+s12+$0x0] =	vst.idx.msk $0xffff, v20  }
0xf1: {  	v20 =	vor.u32 s28, v2;
	v19 =	vld.idx.msk [tilespmem:v19+s2+$0x0], $0xffff  }
0xf2: {  	v18 =	vadd.s32 v2, v18;
	_ =	sdelay $0x3  }
0xf3: {  	s29 =	rddreg [dreg:$0x3];
	v17 =	vperm.xlane v17, v16;
	[tilespmem:v20+s12+$0x0] =	vst.idx.msk $0xffff, v19  }
0xf4: {  	s22 =	sadd.s32 $0x2, s22;
	v19 =	vor.u32 s29, v2;
	v18 =	vld.idx.msk [tilespmem:v18+s2+$0x0], $0xffff  }
0xf5: {  	p1 =	slt.u32 s22, $0x12;
	v17 =	vadd.s32 v2, v17  }
.Ltmp0:
0xf6: {  	s21 =	sadd.s32 $0x20, s21;
	(pc) =	sbr.rel @p1 .LBB2_3-.Ltmp0, $4  }
0xf7: {  	s30 =	sadd.s32 $0xFFFFFFE1, s21  }
0xf8: {  	s31 =	sadd.s32 s11, s30  }
0xf9: {  	s3 =	sand.u32 $0x1FF80, s31;
	[tilespmem:v19+s12+$0x0] =	vst.idx.msk $0xffff, v18  }
0xfa: {  	s0 =	sshll.u32 s30, $0x7;
	s1 =	sand.u32 $0x60, s30;
	s24 =	sadd.s32 $0xD00, s3;
	v18 =	vor.u32 s23, v2;
	v17 =	vld.idx.msk [tilespmem:v17+s2+$0x0], $0xffff  }
0xfb: {  	_ =	sdelay $0x3  }
0xfc: {  	s1 =	sor.u32 s1, s24;
	[tilespmem:v18+s12+$0x0] =	vst.idx.msk $0xffff, v17  }
0xfd: {  	v17 =	vld [tilespmem:s1+$0x0];
	_ =	sdelay $0x4  }
0xfe: {  	v17 =	vshll.u32 v17, $0x4  }
0xff: {  	v18 =	vperm.xlane v17, v1;
	_ =	sdelay $0x1  }
0x100: {  	v18 =	vadd.s32 v2, v18;
	_ =	sdelay $0x3  }
0x101: {  	v19 =	vperm.xlane v17, v3  }
0x102: {  	v20 =	vor.u32 s0, v2;
	v18 =	vld.idx.msk [tilespmem:v18+s2+$0x0], $0xffff  }
0x103: {  	v19 =	vadd.s32 v2, v19;
	_ =	sdelay $0x2  }
0x104: {  	s0 =	sshll.u32 s21, $0x7  }
0x105: {  	s26 =	sadd.s32 $0xFFFFF100, s0;
	v21 =	vperm.xlane v17, v4;
	[tilespmem:v20+s12+$0x0] =	vst.idx.msk $0xffff, v18  }
0x106: {  	v18 =	vld.idx.msk [tilespmem:v19+s2+$0x0], $0xffff;
	v19 =	vor.u32 s26, v2  }
0x107: {  	v53 =	vadd.s32 v2, v21;
	_ =	sdelay $0x3  }
0x108: {  	s28 =	sadd.s32 $0xFFFFF180, s0;
	v54 =	vperm.xlane v17, v5;
	[tilespmem:v19+s12+$0x0] =	vst.idx.msk $0xffff, v18  }
0x109: {  	v19 =	vor.u32 s28, v2;
	v18 =	vld.idx.msk [tilespmem:v53+s2+$0x0], $0xffff  }
0x10a: {  	v55 =	vadd.s32 v2, v54;
	_ =	sdelay $0x3  }
0x10b: {  	s29 =	sadd.s32 $0xFFFFF200, s0;
	v56 =	vperm.xlane v17, v0;
	[tilespmem:v19+s12+$0x0] =	vst.idx.msk $0xffff, v18  }
0x10c: {  	v19 =	vor.u32 s29, v2;
	v18 =	vld.idx.msk [tilespmem:v55+s2+$0x0], $0xffff  }
0x10d: {  	v57 =	vadd.s32 v2, v56;
	_ =	sdelay $0x3  }
0x10e: {  	s30 =	sadd.s32 $0xFFFFF280, s0;
	v58 =	vperm.xlane v17, v6;
	[tilespmem:v19+s12+$0x0] =	vst.idx.msk $0xffff, v18  }
0x10f: {  	v19 =	vor.u32 s30, v2;
	v18 =	vld.idx.msk [tilespmem:v57+s2+$0x0], $0xffff  }
0x110: {  	v59 =	vadd.s32 v2, v58;
	_ =	sdelay $0x3  }
0x111: {  	s31 =	sadd.s32 $0xFFFFF300, s0;
	v60 =	vperm.xlane v17, v7;
	[tilespmem:v19+s12+$0x0] =	vst.idx.msk $0xffff, v18  }
0x112: {  	v19 =	vor.u32 s31, v2;
	v18 =	vld.idx.msk [tilespmem:v59+s2+$0x0], $0xffff  }
0x113: {  	v61 =	vadd.s32 v2, v60;
	_ =	sdelay $0x3  }
0x114: {  	s3 =	sadd.s32 $0xFFFFF380, s0;
	[tilespmem:v19+s12+$0x0] =	vst.idx.msk $0xffff, v18;
	v18 =	vperm.xlane v17, v8  }
0x115: {  	v62 =	vor.u32 s3, v2;
	v19 =	vld.idx.msk [tilespmem:v61+s2+$0x0], $0xffff  }
0x116: {  	v18 =	vadd.s32 v2, v18;
	_ =	sdelay $0x3  }
0x117: {  	s4 =	sadd.s32 $0xFFFFF400, s0;
	v63 =	vperm.xlane v17, v9;
	[tilespmem:v62+s12+$0x0] =	vst.idx.msk $0xffff, v19  }
0x118: {  	v19 =	vor.u32 s4, v2;
	v18 =	vld.idx.msk [tilespmem:v18+s2+$0x0], $0xffff  }
0x119: {  	v24 =	vadd.s32 v2, v63;
	_ =	sdelay $0x3  }
0x11a: {  	s5 =	sadd.s32 $0xFFFFF480, s0;
	v25 =	vperm.xlane v17, v10;
	[tilespmem:v19+s12+$0x0] =	vst.idx.msk $0xffff, v18  }
0x11b: {  	v19 =	vor.u32 s5, v2;
	v18 =	vld.idx.msk [tilespmem:v24+s2+$0x0], $0xffff  }
0x11c: {  	v26 =	vadd.s32 v2, v25;
	_ =	sdelay $0x3  }
0x11d: {  	s6 =	sadd.s32 $0xFFFFF500, s0;
	v27 =	vperm.xlane v17, v11;
	[tilespmem:v19+s12+$0x0] =	vst.idx.msk $0xffff, v18  }
0x11e: {  	v19 =	vor.u32 s6, v2;
	v18 =	vld.idx.msk [tilespmem:v26+s2+$0x0], $0xffff  }
0x11f: {  	v28 =	vadd.s32 v2, v27;
	_ =	sdelay $0x3  }
0x120: {  	s7 =	sadd.s32 $0xFFFFF580, s0;
	v29 =	vperm.xlane v17, v12;
	[tilespmem:v19+s12+$0x0] =	vst.idx.msk $0xffff, v18  }
0x121: {  	v19 =	vor.u32 s7, v2;
	v18 =	vld.idx.msk [tilespmem:v28+s2+$0x0], $0xffff  }
0x122: {  	v30 =	vadd.s32 v2, v29;
	_ =	sdelay $0x3  }
0x123: {  	s8 =	sadd.s32 $0xFFFFF600, s0;
	v31 =	vperm.xlane v17, v13;
	[tilespmem:v19+s12+$0x0] =	vst.idx.msk $0xffff, v18  }
0x124: {  	v19 =	vor.u32 s8, v2;
	v18 =	vld.idx.msk [tilespmem:v30+s2+$0x0], $0xffff  }
0x125: {  	v32 =	vadd.s32 v2, v31;
	_ =	sdelay $0x3  }
0x126: {  	s9 =	sadd.s32 $0xFFFFF680, s0;
	v33 =	vperm.xlane v17, v14;
	[tilespmem:v19+s12+$0x0] =	vst.idx.msk $0xffff, v18  }
0x127: {  	v19 =	vor.u32 s9, v2;
	v18 =	vld.idx.msk [tilespmem:v32+s2+$0x0], $0xffff  }
0x128: {  	v34 =	vadd.s32 v2, v33;
	_ =	sdelay $0x3  }
0x129: {  	s10 =	sadd.s32 $0xFFFFF700, s0;
	v35 =	vperm.xlane v17, v15;
	[tilespmem:v19+s12+$0x0] =	vst.idx.msk $0xffff, v18  }
0x12a: {  	v19 =	vor.u32 s10, v2;
	v18 =	vld.idx.msk [tilespmem:v34+s2+$0x0], $0xffff  }
0x12b: {  	v36 =	vadd.s32 v2, v35;
	_ =	sdelay $0x3  }
0x12c: {  	s13 =	sadd.s32 $0xFFFFF780, s0;
	v17 =	vperm.xlane v17, v16;
	[tilespmem:v19+s12+$0x0] =	vst.idx.msk $0xffff, v18  }
0x12d: {  	v19 =	vor.u32 s13, v2;
	v18 =	vld.idx.msk [tilespmem:v36+s2+$0x0], $0xffff  }
0x12e: {  	v17 =	vadd.s32 v2, v17;
	_ =	sdelay $0x3  }
0x12f: {  	s14 =	sadd.s32 $0xFFFFF800, s0;
	[tilespmem:v19+s12+$0x0] =	vst.idx.msk $0xffff, v18  }
0x130: {  	v18 =	vor.u32 s14, v2;
	v17 =	vld.idx.msk [tilespmem:v17+s2+$0x0], $0xffff;
	_ =	sdelay $0x2  }
0x131: {  	s15 =	sadd.s32 $0xFFFFFFF1, s21  }
0x132: {  	s3 =	sand.u32 $0x70, s15  }
0x133: {  	s3 =	sor.u32 s3, s24;
	[tilespmem:v18+s12+$0x0] =	vst.idx.msk $0xffff, v17  }
0x134: {  	v17 =	vld [tilespmem:s3+$0x0];
	_ =	sdelay $0x4  }
0x135: {  	v17 =	vshll.u32 v17, $0x4  }
0x136: {  	v18 =	vperm.xlane v17, v1;
	_ =	sdelay $0x1  }
0x137: {  	v18 =	vadd.s32 v2, v18;
	_ =	sdelay $0x3  }
0x138: {  	s1 =	sshll.u32 s15, $0x7;
	v19 =	vperm.xlane v17, v3  }
0x139: {  	v37 =	vor.u32 s1, v2;
	v18 =	vld.idx.msk [tilespmem:v18+s2+$0x0], $0xffff  }
0x13a: {  	v19 =	vadd.s32 v2, v19;
	_ =	sdelay $0x3  }
0x13b: {  	s16 =	sadd.s32 $0xFFFFF900, s0;
	v38 =	vperm.xlane v17, v4;
	[tilespmem:v37+s12+$0x0] =	vst.idx.msk $0xffff, v18  }
0x13c: {  	v18 =	vld.idx.msk [tilespmem:v19+s2+$0x0], $0xffff;
	v19 =	vor.u32 s16, v2  }
0x13d: {  	v39 =	vadd.s32 v2, v38;
	_ =	sdelay $0x3  }
0x13e: {  	s17 =	sadd.s32 $0xFFFFF980, s0;
	v40 =	vperm.xlane v17, v5;
	[tilespmem:v19+s12+$0x0] =	vst.idx.msk $0xffff, v18  }
0x13f: {  	v19 =	vor.u32 s17, v2;
	v18 =	vld.idx.msk [tilespmem:v39+s2+$0x0], $0xffff  }
0x140: {  	v41 =	vadd.s32 v2, v40;
	_ =	sdelay $0x3  }
0x141: {  	s18 =	sadd.s32 $0xFFFFFA00, s0;
	v42 =	vperm.xlane v17, v0;
	[tilespmem:v19+s12+$0x0] =	vst.idx.msk $0xffff, v18  }
0x142: {  	v19 =	vor.u32 s18, v2;
	v18 =	vld.idx.msk [tilespmem:v41+s2+$0x0], $0xffff  }
0x143: {  	v43 =	vadd.s32 v2, v42;
	_ =	sdelay $0x3  }
0x144: {  	s19 =	sadd.s32 $0xFFFFFA80, s0;
	v44 =	vperm.xlane v17, v6;
	[tilespmem:v19+s12+$0x0] =	vst.idx.msk $0xffff, v18  }
0x145: {  	v19 =	vor.u32 s19, v2;
	v18 =	vld.idx.msk [tilespmem:v43+s2+$0x0], $0xffff  }
0x146: {  	v45 =	vadd.s32 v2, v44;
	_ =	sdelay $0x3  }
0x147: {  	s20 =	sadd.s32 $0xFFFFFB00, s0;
	v46 =	vperm.xlane v17, v7;
	[tilespmem:v19+s12+$0x0] =	vst.idx.msk $0xffff, v18  }
0x148: {  	v19 =	vor.u32 s20, v2;
	v18 =	vld.idx.msk [tilespmem:v45+s2+$0x0], $0xffff  }
0x149: {  	v47 =	vadd.s32 v2, v46;
	_ =	sdelay $0x3  }
0x14a: {  	s21 =	sadd.s32 $0xFFFFFB80, s0;
	v48 =	vperm.xlane v17, v8;
	[tilespmem:v19+s12+$0x0] =	vst.idx.msk $0xffff, v18  }
0x14b: {  	v19 =	vor.u32 s21, v2;
	v18 =	vld.idx.msk [tilespmem:v47+s2+$0x0], $0xffff  }
0x14c: {  	v49 =	vadd.s32 v2, v48;
	_ =	sdelay $0x3  }
0x14d: {  	s22 =	sadd.s32 $0xFFFFFC00, s0;
	v50 =	vperm.xlane v17, v9;
	[tilespmem:v19+s12+$0x0] =	vst.idx.msk $0xffff, v18  }
0x14e: {  	v19 =	vor.u32 s22, v2;
	v18 =	vld.idx.msk [tilespmem:v49+s2+$0x0], $0xffff  }
0x14f: {  	v51 =	vadd.s32 v2, v50;
	_ =	sdelay $0x3  }
0x150: {  	s23 =	sadd.s32 $0xFFFFFC80, s0;
	v52 =	vperm.xlane v17, v10;
	[tilespmem:v19+s12+$0x0] =	vst.idx.msk $0xffff, v18  }
0x151: {  	v19 =	vor.u32 s23, v2;
	v18 =	vld.idx.msk [tilespmem:v51+s2+$0x0], $0xffff  }
0x152: {  	v53 =	vadd.s32 v2, v52;
	_ =	sdelay $0x3  }
0x153: {  	s24 =	sadd.s32 $0xFFFFFD00, s0;
	v54 =	vperm.xlane v17, v11;
	[tilespmem:v19+s12+$0x0] =	vst.idx.msk $0xffff, v18  }
0x154: {  	v19 =	vor.u32 s24, v2;
	v18 =	vld.idx.msk [tilespmem:v53+s2+$0x0], $0xffff  }
0x155: {  	v55 =	vadd.s32 v2, v54;
	_ =	sdelay $0x3  }
0x156: {  	s25 =	sadd.s32 $0xFFFFFD80, s0;
	v56 =	vperm.xlane v17, v12;
	[tilespmem:v19+s12+$0x0] =	vst.idx.msk $0xffff, v18  }
0x157: {  	v19 =	vor.u32 s25, v2;
	v18 =	vld.idx.msk [tilespmem:v55+s2+$0x0], $0xffff  }
0x158: {  	v57 =	vadd.s32 v2, v56;
	_ =	sdelay $0x3  }
0x159: {  	s26 =	sadd.s32 $0xFFFFFE00, s0;
	v58 =	vperm.xlane v17, v13;
	[tilespmem:v19+s12+$0x0] =	vst.idx.msk $0xffff, v18  }
0x15a: {  	v19 =	vor.u32 s26, v2;
	v18 =	vld.idx.msk [tilespmem:v57+s2+$0x0], $0xffff  }
0x15b: {  	v59 =	vadd.s32 v2, v58;
	_ =	sdelay $0x3  }
0x15c: {  	s28 =	sadd.s32 $0xFFFFFE80, s0;
	v60 =	vperm.xlane v17, v14;
	[tilespmem:v19+s12+$0x0] =	vst.idx.msk $0xffff, v18  }
0x15d: {  	v19 =	vor.u32 s28, v2;
	v18 =	vld.idx.msk [tilespmem:v59+s2+$0x0], $0xffff  }
0x15e: {  	v61 =	vadd.s32 v2, v60;
	_ =	sdelay $0x3  }
0x15f: {  	s29 =	sadd.s32 $0xFFFFFF00, s0;
	v62 =	vperm.xlane v17, v15;
	[tilespmem:v19+s12+$0x0] =	vst.idx.msk $0xffff, v18  }
0x160: {  	v19 =	vor.u32 s29, v2;
	v18 =	vld.idx.msk [tilespmem:v61+s2+$0x0], $0xffff  }
0x161: {  	v63 =	vadd.s32 v2, v62;
	_ =	sdelay $0x3  }
0x162: {  	s30 =	sadd.s32 $0xFFFFFF80, s0;
	v17 =	vperm.xlane v17, v16;
	[tilespmem:v19+s12+$0x0] =	vst.idx.msk $0xffff, v18  }
0x163: {  	v19 =	vor.u32 s30, v2;
	v18 =	vld.idx.msk [tilespmem:v63+s2+$0x0], $0xffff  }
0x164: {  	v17 =	vadd.s32 v2, v17;
	_ =	sdelay $0x3  }
0x165: {  	[tilespmem:v19+s12+$0x0] =	vst.idx.msk $0xffff, v18  }
0x166: {  	v18 =	vor.u32 s0, v2;
	v17 =	vld.idx.msk [tilespmem:v17+s2+$0x0], $0xffff  }
0x167: {  	s31 =	rddreg [dreg:$0xe]  }
0x168: {  	s5 =	rddreg [dreg:$0x8]  }
0x169: {  	s0 =	sadd.s32 s5, s31  }
0x16a: {  	s8 =	rddreg [dreg:$0x7];
	s0 =	sshll.u32 s0, $0x4  }
0x16b: {  	s1 =	simm.s32 @!p0 $0x2;
	s0 =	sadd.s32 s8, s0;
	[tilespmem:v18+s12+$0x0] =	vst.idx.msk $0xffff, v17  }
0x16c: {  	[hbm4b:s0+s2] =	stream.linear.scatter [tilespmem:s12], [sflag:$0x1], $0xA000, $0x38;
	[tilespmem:$0x1B100] =	vst v63  }
0x16d: {  	_ =	swait.ge @!p0 [sflag:s1], $0xA000  }
0x16e: {  	s9 =	simm.s32 $0x11100;
	s3 =	simm.s32 $0x1F;
	s13 =	rddreg [dreg:$0xd]  }
0x16f: {  	[sflag:s1] =	ssyncset.done @!p0 $0x0;
	s10 =	rddreg [dreg:$0xc];
	s0 =	sshllo.u32 s13, $0x1  }
0x170: {  	[sflag:s1] =	ssyncadd.s32 @!p0 $0xFFFF6000;
	s1 =	simm.s32 $0xFFFFFFFE;
	s6 =	smov.u32 s10  }
.LBB2_5:
0x171: {  	v17 =	vld [tilespmem:s6+$0xFFFFFFF0];
	_ =	sdelay $0x4  }
0x172: {  	v17 =	vshll.u32 v17, $0x4  }
0x173: {  	v18 =	vperm.xlane v17, v1;
	_ =	sdelay $0x1  }
0x174: {  	v18 =	vadd.s32 v2, v18;
	_ =	sdelay $0x2  }
0x175: {  	s7 =	sshll.u32 s3, $0x7  }
0x176: {  	s4 =	sadd.s32 $0xFFFFF080, s7;
	v19 =	vperm.xlane v17, v3  }
0x177: {  	v20 =	vor.u32 s4, v2;
	v18 =	vld.idx.msk [tilespmem:v18+s2+$0x0], $0xffff  }
0x178: {  	v19 =	vadd.s32 v2, v19;
	_ =	sdelay $0x3  }
0x179: {  	s18 =	sadd.s32 $0xFFFFF100, s7;
	[tilespmem:v20+s9+$0x0] =	vst.idx.msk $0xffff, v18;
	v18 =	vperm.xlane v17, v4  }
0x17a: {  	v37 =	vor.u32 s18, v2;
	v19 =	vld.idx.msk [tilespmem:v19+s2+$0x0], $0xffff  }
0x17b: {  	v18 =	vadd.s32 v2, v18;
	_ =	sdelay $0x3  }
0x17c: {  	s19 =	sadd.s32 $0xFFFFF180, s7;
	[tilespmem:v37+s9+$0x0] =	vst.idx.msk $0xffff, v19;
	v19 =	vperm.xlane v17, v5  }
0x17d: {  	v38 =	vor.u32 s19, v2;
	v18 =	vld.idx.msk [tilespmem:v18+s2+$0x0], $0xffff  }
0x17e: {  	v19 =	vadd.s32 v2, v19;
	_ =	sdelay $0x3  }
0x17f: {  	s20 =	sadd.s32 $0xFFFFF200, s7;
	[tilespmem:v38+s9+$0x0] =	vst.idx.msk $0xffff, v18;
	v18 =	vperm.xlane v17, v0  }
0x180: {  	v39 =	vor.u32 s20, v2;
	v19 =	vld.idx.msk [tilespmem:v19+s2+$0x0], $0xffff  }
0x181: {  	v18 =	vadd.s32 v2, v18;
	_ =	sdelay $0x3  }
0x182: {  	s21 =	sadd.s32 $0xFFFFF280, s7;
	[tilespmem:v39+s9+$0x0] =	vst.idx.msk $0xffff, v19;
	v19 =	vperm.xlane v17, v6  }
0x183: {  	v40 =	vor.u32 s21, v2;
	v18 =	vld.idx.msk [tilespmem:v18+s2+$0x0], $0xffff  }
0x184: {  	v19 =	vadd.s32 v2, v19;
	_ =	sdelay $0x3  }
0x185: {  	s22 =	sadd.s32 $0xFFFFF300, s7;
	[tilespmem:v40+s9+$0x0] =	vst.idx.msk $0xffff, v18;
	v18 =	vperm.xlane v17, v7  }
0x186: {  	v41 =	vor.u32 s22, v2;
	v19 =	vld.idx.msk [tilespmem:v19+s2+$0x0], $0xffff  }
0x187: {  	v18 =	vadd.s32 v2, v18;
	_ =	sdelay $0x3  }
0x188: {  	s23 =	sadd.s32 $0xFFFFF380, s7;
	[tilespmem:v41+s9+$0x0] =	vst.idx.msk $0xffff, v19;
	v19 =	vperm.xlane v17, v8  }
0x189: {  	v42 =	vor.u32 s23, v2;
	v18 =	vld.idx.msk [tilespmem:v18+s2+$0x0], $0xffff  }
0x18a: {  	v19 =	vadd.s32 v2, v19;
	_ =	sdelay $0x3  }
0x18b: {  	s24 =	sadd.s32 $0xFFFFF400, s7;
	[tilespmem:v42+s9+$0x0] =	vst.idx.msk $0xffff, v18;
	v18 =	vperm.xlane v17, v9  }
0x18c: {  	v43 =	vor.u32 s24, v2;
	v19 =	vld.idx.msk [tilespmem:v19+s2+$0x0], $0xffff  }
0x18d: {  	v18 =	vadd.s32 v2, v18;
	_ =	sdelay $0x3  }
0x18e: {  	s25 =	sadd.s32 $0xFFFFF480, s7;
	[tilespmem:v43+s9+$0x0] =	vst.idx.msk $0xffff, v19;
	v19 =	vperm.xlane v17, v10  }
0x18f: {  	v44 =	vor.u32 s25, v2;
	v18 =	vld.idx.msk [tilespmem:v18+s2+$0x0], $0xffff  }
0x190: {  	v19 =	vadd.s32 v2, v19;
	_ =	sdelay $0x3  }
0x191: {  	s26 =	sadd.s32 $0xFFFFF500, s7;
	[tilespmem:v44+s9+$0x0] =	vst.idx.msk $0xffff, v18;
	v18 =	vperm.xlane v17, v11  }
0x192: {  	v45 =	vor.u32 s26, v2;
	v19 =	vld.idx.msk [tilespmem:v19+s2+$0x0], $0xffff  }
0x193: {  	v18 =	vadd.s32 v2, v18;
	_ =	sdelay $0x3  }
0x194: {  	s28 =	sadd.s32 $0xFFFFF580, s7;
	[tilespmem:v45+s9+$0x0] =	vst.idx.msk $0xffff, v19;
	v19 =	vperm.xlane v17, v12  }
0x195: {  	v46 =	vor.u32 s28, v2;
	v18 =	vld.idx.msk [tilespmem:v18+s2+$0x0], $0xffff  }
0x196: {  	v19 =	vadd.s32 v2, v19;
	_ =	sdelay $0x3  }
0x197: {  	s29 =	sadd.s32 $0xFFFFF600, s7;
	[tilespmem:v46+s9+$0x0] =	vst.idx.msk $0xffff, v18;
	v18 =	vperm.xlane v17, v13  }
0x198: {  	v47 =	vor.u32 s29, v2;
	v19 =	vld.idx.msk [tilespmem:v19+s2+$0x0], $0xffff  }
0x199: {  	v18 =	vadd.s32 v2, v18;
	_ =	sdelay $0x3  }
0x19a: {  	s30 =	sadd.s32 $0xFFFFF680, s7;
	[tilespmem:v47+s9+$0x0] =	vst.idx.msk $0xffff, v19;
	v19 =	vperm.xlane v17, v14  }
0x19b: {  	v48 =	vor.u32 s30, v2;
	v18 =	vld.idx.msk [tilespmem:v18+s2+$0x0], $0xffff  }
0x19c: {  	v19 =	vadd.s32 v2, v19;
	_ =	sdelay $0x3  }
0x19d: {  	s31 =	sadd.s32 $0xFFFFF700, s7;
	[tilespmem:v48+s9+$0x0] =	vst.idx.msk $0xffff, v18;
	v18 =	vperm.xlane v17, v15  }
0x19e: {  	v49 =	vor.u32 s31, v2;
	v19 =	vld.idx.msk [tilespmem:v19+s2+$0x0], $0xffff  }
0x19f: {  	v18 =	vadd.s32 v2, v18;
	_ =	sdelay $0x3  }
0x1a0: {  	s14 =	sadd.s32 $0xFFFFF780, s7;
	v17 =	vperm.xlane v17, v16;
	[tilespmem:v49+s9+$0x0] =	vst.idx.msk $0xffff, v19  }
0x1a1: {  	v19 =	vor.u32 s14, v2;
	v18 =	vld.idx.msk [tilespmem:v18+s2+$0x0], $0xffff  }
0x1a2: {  	v17 =	vadd.s32 v2, v17;
	_ =	sdelay $0x3  }
0x1a3: {  	s15 =	sadd.s32 $0xFFFFF800, s7;
	[tilespmem:v19+s9+$0x0] =	vst.idx.msk $0xffff, v18  }
0x1a4: {  	v18 =	vor.u32 s15, v2;
	v17 =	vld.idx.msk [tilespmem:v17+s2+$0x0], $0xffff;
	_ =	sdelay $0x4  }
0x1a5: {  	[tilespmem:v18+s9+$0x0] =	vst.idx.msk $0xffff, v17  }
0x1a6: {  	v17 =	vld [tilespmem:s6+$0x0];
	_ =	sdelay $0x4  }
0x1a7: {  	v17 =	vshll.u32 v17, $0x4  }
0x1a8: {  	v18 =	vperm.xlane v17, v1;
	_ =	sdelay $0x1  }
0x1a9: {  	v18 =	vadd.s32 v2, v18;
	_ =	sdelay $0x3  }
0x1aa: {  	s16 =	sadd.s32 $0xFFFFF880, s7;
	v19 =	vperm.xlane v17, v3  }
0x1ab: {  	v50 =	vor.u32 s16, v2;
	v18 =	vld.idx.msk [tilespmem:v18+s2+$0x0], $0xffff  }
0x1ac: {  	v19 =	vadd.s32 v2, v19;
	_ =	sdelay $0x3  }
0x1ad: {  	s17 =	sadd.s32 $0xFFFFF900, s7;
	[tilespmem:v50+s9+$0x0] =	vst.idx.msk $0xffff, v18;
	v18 =	vperm.xlane v17, v4  }
0x1ae: {  	v51 =	vor.u32 s17, v2;
	v19 =	vld.idx.msk [tilespmem:v19+s2+$0x0], $0xffff  }
0x1af: {  	v18 =	vadd.s32 v2, v18;
	_ =	sdelay $0x3  }
0x1b0: {  	s18 =	sadd.s32 $0xFFFFF980, s7;
	[tilespmem:v51+s9+$0x0] =	vst.idx.msk $0xffff, v19;
	v19 =	vperm.xlane v17, v5  }
0x1b1: {  	v52 =	vor.u32 s18, v2;
	v18 =	vld.idx.msk [tilespmem:v18+s2+$0x0], $0xffff  }
0x1b2: {  	v19 =	vadd.s32 v2, v19;
	_ =	sdelay $0x3  }
0x1b3: {  	s19 =	sadd.s32 $0xFFFFFA00, s7;
	[tilespmem:v52+s9+$0x0] =	vst.idx.msk $0xffff, v18;
	v18 =	vperm.xlane v17, v0  }
0x1b4: {  	v53 =	vor.u32 s19, v2;
	v19 =	vld.idx.msk [tilespmem:v19+s2+$0x0], $0xffff  }
0x1b5: {  	v18 =	vadd.s32 v2, v18;
	_ =	sdelay $0x3  }
0x1b6: {  	s20 =	sadd.s32 $0xFFFFFA80, s7;
	[tilespmem:v53+s9+$0x0] =	vst.idx.msk $0xffff, v19;
	v19 =	vperm.xlane v17, v6  }
0x1b7: {  	v54 =	vor.u32 s20, v2;
	v18 =	vld.idx.msk [tilespmem:v18+s2+$0x0], $0xffff  }
0x1b8: {  	v19 =	vadd.s32 v2, v19;
	_ =	sdelay $0x3  }
0x1b9: {  	s21 =	sadd.s32 $0xFFFFFB00, s7;
	[tilespmem:v54+s9+$0x0] =	vst.idx.msk $0xffff, v18;
	v18 =	vperm.xlane v17, v7  }
0x1ba: {  	v55 =	vor.u32 s21, v2;
	v19 =	vld.idx.msk [tilespmem:v19+s2+$0x0], $0xffff  }
0x1bb: {  	v18 =	vadd.s32 v2, v18;
	_ =	sdelay $0x3  }
0x1bc: {  	s22 =	sadd.s32 $0xFFFFFB80, s7;
	[tilespmem:v55+s9+$0x0] =	vst.idx.msk $0xffff, v19;
	v19 =	vperm.xlane v17, v8  }
0x1bd: {  	v56 =	vor.u32 s22, v2;
	v18 =	vld.idx.msk [tilespmem:v18+s2+$0x0], $0xffff  }
0x1be: {  	v19 =	vadd.s32 v2, v19;
	_ =	sdelay $0x3  }
0x1bf: {  	s23 =	sadd.s32 $0xFFFFFC00, s7;
	[tilespmem:v56+s9+$0x0] =	vst.idx.msk $0xffff, v18;
	v18 =	vperm.xlane v17, v9  }
0x1c0: {  	v57 =	vor.u32 s23, v2;
	v19 =	vld.idx.msk [tilespmem:v19+s2+$0x0], $0xffff  }
0x1c1: {  	v18 =	vadd.s32 v2, v18;
	_ =	sdelay $0x3  }
0x1c2: {  	s24 =	sadd.s32 $0xFFFFFC80, s7;
	[tilespmem:v57+s9+$0x0] =	vst.idx.msk $0xffff, v19;
	v19 =	vperm.xlane v17, v10  }
0x1c3: {  	v58 =	vor.u32 s24, v2;
	v18 =	vld.idx.msk [tilespmem:v18+s2+$0x0], $0xffff  }
0x1c4: {  	v19 =	vadd.s32 v2, v19;
	_ =	sdelay $0x3  }
0x1c5: {  	s25 =	sadd.s32 $0xFFFFFD00, s7;
	[tilespmem:v58+s9+$0x0] =	vst.idx.msk $0xffff, v18;
	v18 =	vperm.xlane v17, v11  }
0x1c6: {  	v59 =	vor.u32 s25, v2;
	v19 =	vld.idx.msk [tilespmem:v19+s2+$0x0], $0xffff  }
0x1c7: {  	v18 =	vadd.s32 v2, v18;
	_ =	sdelay $0x3  }
0x1c8: {  	s26 =	sadd.s32 $0xFFFFFD80, s7;
	[tilespmem:v59+s9+$0x0] =	vst.idx.msk $0xffff, v19;
	v19 =	vperm.xlane v17, v12  }
0x1c9: {  	v60 =	vor.u32 s26, v2;
	v18 =	vld.idx.msk [tilespmem:v18+s2+$0x0], $0xffff  }
0x1ca: {  	v19 =	vadd.s32 v2, v19;
	_ =	sdelay $0x3  }
0x1cb: {  	s28 =	sadd.s32 $0xFFFFFE00, s7;
	[tilespmem:v60+s9+$0x0] =	vst.idx.msk $0xffff, v18;
	v18 =	vperm.xlane v17, v13  }
0x1cc: {  	v61 =	vor.u32 s28, v2;
	v19 =	vld.idx.msk [tilespmem:v19+s2+$0x0], $0xffff  }
0x1cd: {  	v18 =	vadd.s32 v2, v18;
	_ =	sdelay $0x3  }
0x1ce: {  	s29 =	sadd.s32 $0xFFFFFE80, s7;
	[tilespmem:v61+s9+$0x0] =	vst.idx.msk $0xffff, v19;
	v19 =	vperm.xlane v17, v14  }
0x1cf: {  	v62 =	vor.u32 s29, v2;
	v18 =	vld.idx.msk [tilespmem:v18+s2+$0x0], $0xffff  }
0x1d0: {  	v19 =	vadd.s32 v2, v19;
	_ =	sdelay $0x3  }
0x1d1: {  	s30 =	sadd.s32 $0xFFFFFF00, s7;
	[tilespmem:v62+s9+$0x0] =	vst.idx.msk $0xffff, v18;
	v18 =	vperm.xlane v17, v15  }
0x1d2: {  	v63 =	vor.u32 s30, v2;
	v19 =	vld.idx.msk [tilespmem:v19+s2+$0x0], $0xffff  }
0x1d3: {  	v18 =	vadd.s32 v2, v18;
	_ =	sdelay $0x3  }
0x1d4: {  	s31 =	sadd.s32 $0xFFFFFF80, s7;
	v17 =	vperm.xlane v17, v16;
	[tilespmem:v63+s9+$0x0] =	vst.idx.msk $0xffff, v19  }
0x1d5: {  	v19 =	vor.u32 s31, v2;
	v18 =	vld.idx.msk [tilespmem:v18+s2+$0x0], $0xffff  }
0x1d6: {  	v17 =	vadd.s32 v2, v17;
	_ =	sdelay $0x3  }
0x1d7: {  	s1 =	sadd.s32 $0x2, s1;
	[tilespmem:v19+s9+$0x0] =	vst.idx.msk $0xffff, v18  }
0x1d8: {  	p0 =	slt.u32 s1, $0x12;
	v18 =	vor.u32 s7, v2;
	v17 =	vld.idx.msk [tilespmem:v17+s2+$0x0], $0xffff  }
.Ltmp1:
0x1d9: {  	_ = 	snop;
	(pc) =	sbr.rel @p0 .LBB2_5-.Ltmp1, $2  }
0x1da: {  	_ =	sdelay $0x2  }
0x1db: {  	s3 =	sadd.s32 $0x20, s3;
	s6 =	sadd.s32 $0x20, s6;
	[tilespmem:v18+s9+$0x0] =	vst.idx.msk $0xffff, v17  }
0x1dc: {  	s13 =	sadd.s32 $0x1, s13  }
0x1dd: {  	s0 =	smul.u32 $0x140, s0;
	p0 =	sne.s32 s13, $0x28  }
.Ltmp2:
0x1de: {  	_ = 	snop;
	(pc) =	sbr.rel @p0 .LBB2_2-.Ltmp2, $4  }
0x1df: {  	s0 =	sadd.s32 s5, s0  }
0x1e0: {  	s0 =	sshll.u32 s0, $0x4  }
0x1e1: {  	s11 =	sadd.s32 $0x280, s11;
	s10 =	sadd.s32 $0x280, s10;
	s0 =	sadd.s32 s8, s0  }
0x1e2: {  	[hbm4b:s0+s2] =	stream.linear.scatter [tilespmem:s9], [sflag:$0x2], $0xA000, $0x38;
	[tilespmem:$0x1B100] =	vst v63  }
0x1e3: {  	s0 =	simm.s32 $0x1  }
0x1e4: {  	_ =	swait.ge [sflag:s0], $0xA000  }
0x1e5: {  	[sflag:s0] =	ssyncset.done $0x0  }
0x1e6: {  	s1 =	simm.s32 $0x2;
	[sflag:s0] =	ssyncadd.s32 $0xFFFF6000  }
0x1e7: {  	_ =	swait.ge [sflag:s1], $0xA000  }
0x1e8: {  	s3 =	rddreg [dreg:$0xb]  }
0x1e9: {  	s31 =	rddreg [dreg:$0xa];
	s3 =	sadd.s32 $0x1, s3  }
0x1ea: {  	p0 =	sne.s32 s3, s31  }
.Ltmp3:
0x1eb: {  	_ = 	snop;
	(pc) =	sbr.rel @p0 .LBB2_1-.Ltmp3, $3  }
0x1ec: {  	_ =	sdelay $0x1  }
0x1ed: {  	[sflag:s1] =	ssyncset.done $0x0  }
0x1ee: {  	[sflag:s1] =	ssyncadd.s32 $0xFFFF6000  }
0x1ef: {  	_ =	sfence.sel $0x180000  }
0x1f0: {  	[bflag:$0x0] =	sbarrier.arrive $0xFFFF  }
0x1f1: {  	_ =	strace $0x90000047  }
0x1f2: {  	s0 =	stileid.u32;
	[bflag:$0x2] =	sbarrier.arrive $0xFFFF  }
0x1f3: {  	p0 =	sne.s32 s0, $0x0;
	s0 =	rddreg [dreg:$0x2]  }
0x1f4: {  	s0 =	sadd.s32 @!p0 $0x100000, s0  }
0x1f5: {  	[sflag:s0] =	ssyncadd.tile.s32 @!p0 $0x1;
	_ =	shalt  }
.Lfunc_end2:
_tile_overlayer_lowered:
.L_overlay_start_2:
0x1f6: {  	(tag) =	ssettag $0x2  }
0x1f7: {  	s0 =	rddreg [dreg:$0x0];
	s2 =	stileid.u32  }
0x1f8: {  	s1 =	rddreg [dreg:$0x1];
	p0 =	sne.s32 s2, $0x0  }
0x1f9: {  	s3 =	rddreg [dreg:$0x2];
	[bflag:$0x3] =	sbarrier.arrive $0xFFFF;
	s2 =	simm.s32 @!p0 $0x1C03  }
0x1fa: {  	[timem:s3], [sflag:s2] =	dma.local @!p0 [hbm:s0], s1  }
0x1fb: {  	s0 =	simm.s32 @!p0 $0x3  }
0x1fc: {  	_ =	swait.ge @!p0 [sflag:s0], s1  }
0x1fd: {  	s1 =	ssub.s32 @!p0 $0x0, s1;
	[sflag:s0] =	ssyncset.done @!p0 $0x0  }
0x1fe: {  	[sflag:s0] =	ssyncadd.s32 @!p0 s1  }
0x1ff: {  	[bflag:$0x3] =	sbarrier.arrive $0xFFFF  }
0x200: {  	_ =	shalt  }

</sc_bundles>
